<compile_context>
chip_gen: v7x
topology: tpu7x:2x2x1
jax: 0.10.2.dev20260603
libtpu: 0.0.44.dev20260713+nightly
codegen_flags: <defaults>
</compile_context>

<pallas_src>
import jax
import jax.numpy as jnp
from jax import lax
from jax.experimental import pallas as pl
from jax.experimental.pallas import tpu as pltpu
from jax.experimental.pallas import tpu_sc as plsc

NC = 2
NS = 16
NW = NC * NS

B = 128
NCAT = 6
NP = 3
CT = 128
CB = CT // NW
ROW_W = 1024
OUT_W = NP * ROW_W


def _sc_body(emb_hbm, cat_hbm, out_hbm, cat_v, staged, sem_stage, sem_w):
    cid = lax.axis_index("c")
    sid = lax.axis_index("s")
    wid = sid * NC + cid
    ct0 = wid * CB

    for np_i in range(NP):
        pltpu.async_copy(
            emb_hbm.at[:, np_i, pl.ds(ct0, CB), :],
            staged.at[:, :, pl.ds(np_i * ROW_W, ROW_W)], sem_stage)
    pltpu.sync_copy(cat_hbm, cat_v)
    for np_i in range(NP):
        pltpu.make_async_copy(
            emb_hbm.at[:, np_i, pl.ds(ct0, CB), :],
            staged.at[:, :, pl.ds(np_i * ROW_W, ROW_W)], sem_stage).wait()

    def issue(g, carry):
        c16 = cat_v[pl.ds(g * 16, 16)]
        for l in range(16):
            b = g * 16 + l
            c = c16[l]
            pltpu.async_copy(
                staged.at[c], out_hbm.at[b, pl.ds(ct0, CB), :], sem_w)
        return carry

    def drain(g, carry):
        c16 = cat_v[pl.ds(g * 16, 16)]
        for l in range(16):
            b = g * 16 + l
            c = c16[l]
            pltpu.make_async_copy(
                staged.at[c], out_hbm.at[b, pl.ds(ct0, CB), :], sem_w).wait()
        return carry

    lax.fori_loop(0, B // 16, issue, 0)
    lax.fori_loop(0, B // 16, drain, 0)


def kernel(batch_size, cat_id, embeddings):
    emb4 = embeddings.reshape(NCAT, NP, CT, ROW_W)

    mesh = plsc.VectorSubcoreMesh(core_axis_name="c", subcore_axis_name="s")
    out = pl.kernel(
        _sc_body,
        out_type=jax.ShapeDtypeStruct((B, CT, OUT_W), jnp.float32),
        mesh=mesh,
        scratch_types=[
            pltpu.VMEM((B,), jnp.int32),
            pltpu.VMEM((NCAT, CB, OUT_W), jnp.float32),
            pltpu.SemaphoreType.DMA,
            pltpu.SemaphoreType.DMA,
        ],
    )(emb4, cat_id.astype(jnp.int32))
    return out

# --- scband reference (transcript-rebuilt; emitter-appended) ---
"""Pipeline reference for scband-triplane1-dtokenizer-6768868458771 (READ-ONLY COPY).

The authoritative reference and input builder live on the scoring server;
editing this copy changes nothing except your own understanding.
"""

import jax, jax.numpy as jnp
import numpy as np
import math


def setup_inputs(seed: int = 0) -> dict:
    key = jax.random.key(seed)
    k1, k2 = jax.random.split(key)
    embeddings = jax.random.normal(k1, (6, 3, 128, 32, 32), dtype=jnp.float32) * (1.0 / math.sqrt(128))
    batch_size = 128
    cat_id = jax.random.randint(k2, (batch_size,), 0, 6, dtype=jnp.int32)
    return {"batch_size": batch_size, "cat_id": cat_id, "embeddings": embeddings}


def reference(batch_size, cat_id, embeddings):
    # torch.index_select(embeddings, 0, cat_id) -> gather rows
    sel = jnp.take(embeddings, cat_id, axis=0)  # [B, Np=3, Ct=128, Hp=32, Wp=32]
    # rearrange 'B Np Ct Hp Wp -> B Ct (Np Hp Wp)'
    B = sel.shape[0]
    out = jnp.transpose(sel, (0, 2, 1, 3, 4)).reshape(B, 128, 3 * 32 * 32)
    return out

if __name__ == "__main__":
    import jax
    _d = setup_inputs()
    print(jax.jit(kernel)(*tuple(_d.values())))

</pallas_src>

<mosaic_0001>
#map = affine_map<(d0, d1) -> (0, 0, 0, 0)>
#map1 = affine_map<(d0, d1) -> (0)>
#map2 = affine_map<(d0, d1) -> (0, 0, 0)>
module attributes {stable_mosaic.version = 14 : i64} {
  func.func @_sc_body(%arg0: i32, %arg1: i32, %arg2: memref<6x3x128x1024xf32, #tpu.memory_space<hbm>>, %arg3: memref<128xi32, #tpu.memory_space<hbm>>, %arg4: memref<128x128x3072xf32, #tpu.memory_space<hbm>>, %arg5: memref<128xi32, #tpu.memory_space<vmem>>, %arg6: memref<6x4x3072xf32, #tpu.memory_space<vmem>>, %arg7: memref<!tpu.dma_semaphore, #tpu.memory_space<semaphore_mem>>, %arg8: memref<!tpu.dma_semaphore, #tpu.memory_space<semaphore_mem>>) attributes {dimension_semantics = [#tpu.dimension_semantics<core_parallel>, #tpu.dimension_semantics<subcore_parallel>], iteration_bounds = array<i64: 2, 16>, scalar_prefetch = 0 : i64, scratch_operands = 4 : i64, tpu.core_type = #tpu.core_type<sc_vector_subcore>, window_params = [{transform_indices = #map}, {transform_indices = #map1}, {transform_indices = #map2}]} {
    %mul3A = arith.constant 2 : i32
    %mul3A_0 = arith.muli %arg1, %mul3A : i32
    %add3A = arith.addi %mul3A_0, %arg0 : i32
    %mul3A_1 = arith.constant 4 : i32
    %mul3A_2 = arith.muli %add3A, %mul3A_1 : i32
    %dma_start3A = arith.constant 0 : i32
    %dma_start3A_3 = arith.constant 0 : i32
    %dma_start3A_4 = arith.constant 0 : i32
    %dma_start3A_5 = arith.constant 0 : i32
    %dma_start3A_6 = tpu.memref_slice %arg6[%dma_start3A_3, %dma_start3A_4, %dma_start3A_5] : memref<6x4x3072xf32, #tpu.memory_space<vmem>> -> memref<6x4x1024xf32, #tpu.memory_space<vmem>>
    %dma_start3A_7 = arith.constant 0 : i32
    %dma_start3A_8 = arith.constant 0 : i32
    %dma_start3A_9 = tpu.memref_slice %arg2[%dma_start3A_7, %dma_start3A, %mul3A_2, %dma_start3A_8] : memref<6x3x128x1024xf32, #tpu.memory_space<hbm>> -> memref<6x1x4x1024xf32, #tpu.memory_space<hbm>>
    %dma_start3A_10 = tpu.memref_squeeze %dma_start3A_9 : memref<6x1x4x1024xf32, #tpu.memory_space<hbm>> -> memref<6x4x1024xf32, #tpu.memory_space<hbm>>
    %dma_start3A_11 = arith.constant 0 : i32
    %dma_start3A_12 = arith.constant 0 : i32
    %dma_start3A_13 = arith.constant 0 : i32
    %dma_start3A_14 = tpu.memref_slice %arg6[%dma_start3A_11, %dma_start3A_12, %dma_start3A_13] : memref<6x4x3072xf32, #tpu.memory_space<vmem>> -> memref<6x4x1024xf32, #tpu.memory_space<vmem>>
    %dma_start3A_15 = arith.constant 0 : i32
    %dma_start3A_16 = arith.constant 0 : i32
    %dma_start3A_17 = tpu.memref_slice %arg2[%dma_start3A_15, %dma_start3A, %mul3A_2, %dma_start3A_16] : memref<6x3x128x1024xf32, #tpu.memory_space<hbm>> -> memref<6x1x4x1024xf32, #tpu.memory_space<hbm>>
    %dma_start3A_18 = tpu.memref_squeeze %dma_start3A_17 : memref<6x1x4x1024xf32, #tpu.memory_space<hbm>> -> memref<6x4x1024xf32, #tpu.memory_space<hbm>>
    tpu.enqueue_dma source(%dma_start3A_18 : memref<6x4x1024xf32, #tpu.memory_space<hbm>>) target(%dma_start3A_14 : memref<6x4x1024xf32, #tpu.memory_space<vmem>>) target_semaphore(%arg7 : memref<!tpu.dma_semaphore, #tpu.memory_space<semaphore_mem>>)
    %dma_start3A_19 = arith.constant 1 : i32
    %dma_start3A_20 = arith.constant 0 : i32
    %dma_start3A_21 = arith.constant 0 : i32
    %dma_start3A_22 = arith.constant 1024 : i32
    %dma_start3A_23 = tpu.memref_slice %arg6[%dma_start3A_20, %dma_start3A_21, %dma_start3A_22] : memref<6x4x3072xf32, #tpu.memory_space<vmem>> -> memref<6x4x1024xf32, #tpu.memory_space<vmem>>
    %dma_start3A_24 = arith.constant 0 : i32
    %dma_start3A_25 = arith.constant 0 : i32
    %dma_start3A_26 = tpu.memref_slice %arg2[%dma_start3A_24, %dma_start3A_19, %mul3A_2, %dma_start3A_25] : memref<6x3x128x1024xf32, #tpu.memory_space<hbm>> -> memref<6x1x4x1024xf32, #tpu.memory_space<hbm>>
    %dma_start3A_27 = tpu.memref_squeeze %dma_start3A_26 : memref<6x1x4x1024xf32, #tpu.memory_space<hbm>> -> memref<6x4x1024xf32, #tpu.memory_space<hbm>>
    %dma_start3A_28 = arith.constant 0 : i32
    %dma_start3A_29 = arith.constant 0 : i32
    %dma_start3A_30 = arith.constant 1024 : i32
    %dma_start3A_31 = tpu.memref_slice %arg6[%dma_start3A_28, %dma_start3A_29, %dma_start3A_30] : memref<6x4x3072xf32, #tpu.memory_space<vmem>> -> memref<6x4x1024xf32, #tpu.memory_space<vmem>>
    %dma_start3A_32 = arith.constant 0 : i32
    %dma_start3A_33 = arith.constant 0 : i32
    %dma_start3A_34 = tpu.memref_slice %arg2[%dma_start3A_32, %dma_start3A_19, %mul3A_2, %dma_start3A_33] : memref<6x3x128x1024xf32, #tpu.memory_space<hbm>> -> memref<6x1x4x1024xf32, #tpu.memory_space<hbm>>
    %dma_start3A_35 = tpu.memref_squeeze %dma_start3A_34 : memref<6x1x4x1024xf32, #tpu.memory_space<hbm>> -> memref<6x4x1024xf32, #tpu.memory_space<hbm>>
    tpu.enqueue_dma source(%dma_start3A_35 : memref<6x4x1024xf32, #tpu.memory_space<hbm>>) target(%dma_start3A_31 : memref<6x4x1024xf32, #tpu.memory_space<vmem>>) target_semaphore(%arg7 : memref<!tpu.dma_semaphore, #tpu.memory_space<semaphore_mem>>)
    %dma_start3A_36 = arith.constant 2 : i32
    %dma_start3A_37 = arith.constant 0 : i32
    %dma_start3A_38 = arith.constant 0 : i32
    %dma_start3A_39 = arith.constant 2048 : i32
    %dma_start3A_40 = tpu.memref_slice %arg6[%dma_start3A_37, %dma_start3A_38, %dma_start3A_39] : memref<6x4x3072xf32, #tpu.memory_space<vmem>> -> memref<6x4x1024xf32, #tpu.memory_space<vmem>>
    %dma_start3A_41 = arith.constant 0 : i32
    %dma_start3A_42 = arith.constant 0 : i32
    %dma_start3A_43 = tpu.memref_slice %arg2[%dma_start3A_41, %dma_start3A_36, %mul3A_2, %dma_start3A_42] : memref<6x3x128x1024xf32, #tpu.memory_space<hbm>> -> memref<6x1x4x1024xf32, #tpu.memory_space<hbm>>
    %dma_start3A_44 = tpu.memref_squeeze %dma_start3A_43 : memref<6x1x4x1024xf32, #tpu.memory_space<hbm>> -> memref<6x4x1024xf32, #tpu.memory_space<hbm>>
    %dma_start3A_45 = arith.constant 0 : i32
    %dma_start3A_46 = arith.constant 0 : i32
    %dma_start3A_47 = arith.constant 2048 : i32
    %dma_start3A_48 = tpu.memref_slice %arg6[%dma_start3A_45, %dma_start3A_46, %dma_start3A_47] : memref<6x4x3072xf32, #tpu.memory_space<vmem>> -> memref<6x4x1024xf32, #tpu.memory_space<vmem>>
    %dma_start3A_49 = arith.constant 0 : i32
    %dma_start3A_50 = arith.constant 0 : i32
    %dma_start3A_51 = tpu.memref_slice %arg2[%dma_start3A_49, %dma_start3A_36, %mul3A_2, %dma_start3A_50] : memref<6x3x128x1024xf32, #tpu.memory_space<hbm>> -> memref<6x1x4x1024xf32, #tpu.memory_space<hbm>>
    %dma_start3A_52 = tpu.memref_squeeze %dma_start3A_51 : memref<6x1x4x1024xf32, #tpu.memory_space<hbm>> -> memref<6x4x1024xf32, #tpu.memory_space<hbm>>
    tpu.enqueue_dma source(%dma_start3A_52 : memref<6x4x1024xf32, #tpu.memory_space<hbm>>) target(%dma_start3A_48 : memref<6x4x1024xf32, #tpu.memory_space<vmem>>) target_semaphore(%arg7 : memref<!tpu.dma_semaphore, #tpu.memory_space<semaphore_mem>>)
    "tpu.region"() ({
      %run_scoped3A = tpu.sem_alloc : memref<!tpu.dma_semaphore, #tpu.memory_space<semaphore_mem>>
      tpu.enqueue_dma source(%arg3 : memref<128xi32, #tpu.memory_space<hbm>>) target(%arg5 : memref<128xi32, #tpu.memory_space<vmem>>) target_semaphore(%run_scoped3A : memref<!tpu.dma_semaphore, #tpu.memory_space<semaphore_mem>>)
      tpu.wait_dma2 semaphore(%run_scoped3A : memref<!tpu.dma_semaphore, #tpu.memory_space<semaphore_mem>>) src(%arg3 : memref<128xi32, #tpu.memory_space<hbm>>) dst(%arg5 : memref<128xi32, #tpu.memory_space<vmem>>)
      tpu.yield
    }) : () -> ()
    %dma_wait3A = arith.constant 0 : i32
    %dma_wait3A_53 = arith.constant 0 : i32
    %dma_wait3A_54 = arith.constant 0 : i32
    %dma_wait3A_55 = arith.constant 0 : i32
    %dma_wait3A_56 = tpu.memref_slice %arg6[%dma_wait3A_53, %dma_wait3A_54, %dma_wait3A_55] : memref<6x4x3072xf32, #tpu.memory_space<vmem>> -> memref<6x4x1024xf32, #tpu.memory_space<vmem>>
    %dma_wait3A_57 = arith.constant 0 : i32
    %dma_wait3A_58 = arith.constant 0 : i32
    %dma_wait3A_59 = tpu.memref_slice %arg2[%dma_wait3A_57, %dma_wait3A, %mul3A_2, %dma_wait3A_58] : memref<6x3x128x1024xf32, #tpu.memory_space<hbm>> -> memref<6x1x4x1024xf32, #tpu.memory_space<hbm>>
    %dma_wait3A_60 = tpu.memref_squeeze %dma_wait3A_59 : memref<6x1x4x1024xf32, #tpu.memory_space<hbm>> -> memref<6x4x1024xf32, #tpu.memory_space<hbm>>
    %dma_wait3A_61 = arith.constant 0 : i32
    %dma_wait3A_62 = arith.constant 0 : i32
    %dma_wait3A_63 = arith.constant 0 : i32
    %dma_wait3A_64 = tpu.memref_slice %arg6[%dma_wait3A_61, %dma_wait3A_62, %dma_wait3A_63] : memref<6x4x3072xf32, #tpu.memory_space<vmem>> -> memref<6x4x1024xf32, #tpu.memory_space<vmem>>
    %dma_wait3A_65 = arith.constant 0 : i32
    %dma_wait3A_66 = arith.constant 0 : i32
    %dma_wait3A_67 = tpu.memref_slice %arg2[%dma_wait3A_65, %dma_wait3A, %mul3A_2, %dma_wait3A_66] : memref<6x3x128x1024xf32, #tpu.memory_space<hbm>> -> memref<6x1x4x1024xf32, #tpu.memory_space<hbm>>
    %dma_wait3A_68 = tpu.memref_squeeze %dma_wait3A_67 : memref<6x1x4x1024xf32, #tpu.memory_space<hbm>> -> memref<6x4x1024xf32, #tpu.memory_space<hbm>>
    tpu.wait_dma2 semaphore(%arg7 : memref<!tpu.dma_semaphore, #tpu.memory_space<semaphore_mem>>) src(%dma_wait3A_68 : memref<6x4x1024xf32, #tpu.memory_space<hbm>>) dst(%dma_wait3A_64 : memref<6x4x1024xf32, #tpu.memory_space<vmem>>)
    %dma_wait3A_69 = arith.constant 1 : i32
    %dma_wait3A_70 = arith.constant 0 : i32
    %dma_wait3A_71 = arith.constant 0 : i32
    %dma_wait3A_72 = arith.constant 1024 : i32
    %dma_wait3A_73 = tpu.memref_slice %arg6[%dma_wait3A_70, %dma_wait3A_71, %dma_wait3A_72] : memref<6x4x3072xf32, #tpu.memory_space<vmem>> -> memref<6x4x1024xf32, #tpu.memory_space<vmem>>
    %dma_wait3A_74 = arith.constant 0 : i32
    %dma_wait3A_75 = arith.constant 0 : i32
    %dma_wait3A_76 = tpu.memref_slice %arg2[%dma_wait3A_74, %dma_wait3A_69, %mul3A_2, %dma_wait3A_75] : memref<6x3x128x1024xf32, #tpu.memory_space<hbm>> -> memref<6x1x4x1024xf32, #tpu.memory_space<hbm>>
    %dma_wait3A_77 = tpu.memref_squeeze %dma_wait3A_76 : memref<6x1x4x1024xf32, #tpu.memory_space<hbm>> -> memref<6x4x1024xf32, #tpu.memory_space<hbm>>
    %dma_wait3A_78 = arith.constant 0 : i32
    %dma_wait3A_79 = arith.constant 0 : i32
    %dma_wait3A_80 = arith.constant 1024 : i32
    %dma_wait3A_81 = tpu.memref_slice %arg6[%dma_wait3A_78, %dma_wait3A_79, %dma_wait3A_80] : memref<6x4x3072xf32, #tpu.memory_space<vmem>> -> memref<6x4x1024xf32, #tpu.memory_space<vmem>>
    %dma_wait3A_82 = arith.constant 0 : i32
    %dma_wait3A_83 = arith.constant 0 : i32
    %dma_wait3A_84 = tpu.memref_slice %arg2[%dma_wait3A_82, %dma_wait3A_69, %mul3A_2, %dma_wait3A_83] : memref<6x3x128x1024xf32, #tpu.memory_space<hbm>> -> memref<6x1x4x1024xf32, #tpu.memory_space<hbm>>
    %dma_wait3A_85 = tpu.memref_squeeze %dma_wait3A_84 : memref<6x1x4x1024xf32, #tpu.memory_space<hbm>> -> memref<6x4x1024xf32, #tpu.memory_space<hbm>>
    tpu.wait_dma2 semaphore(%arg7 : memref<!tpu.dma_semaphore, #tpu.memory_space<semaphore_mem>>) src(%dma_wait3A_85 : memref<6x4x1024xf32, #tpu.memory_space<hbm>>) dst(%dma_wait3A_81 : memref<6x4x1024xf32, #tpu.memory_space<vmem>>)
    %dma_wait3A_86 = arith.constant 2 : i32
    %dma_wait3A_87 = arith.constant 0 : i32
    %dma_wait3A_88 = arith.constant 0 : i32
    %dma_wait3A_89 = arith.constant 2048 : i32
    %dma_wait3A_90 = tpu.memref_slice %arg6[%dma_wait3A_87, %dma_wait3A_88, %dma_wait3A_89] : memref<6x4x3072xf32, #tpu.memory_space<vmem>> -> memref<6x4x1024xf32, #tpu.memory_space<vmem>>
    %dma_wait3A_91 = arith.constant 0 : i32
    %dma_wait3A_92 = arith.constant 0 : i32
    %dma_wait3A_93 = tpu.memref_slice %arg2[%dma_wait3A_91, %dma_wait3A_86, %mul3A_2, %dma_wait3A_92] : memref<6x3x128x1024xf32, #tpu.memory_space<hbm>> -> memref<6x1x4x1024xf32, #tpu.memory_space<hbm>>
    %dma_wait3A_94 = tpu.memref_squeeze %dma_wait3A_93 : memref<6x1x4x1024xf32, #tpu.memory_space<hbm>> -> memref<6x4x1024xf32, #tpu.memory_space<hbm>>
    %dma_wait3A_95 = arith.constant 0 : i32
    %dma_wait3A_96 = arith.constant 0 : i32
    %dma_wait3A_97 = arith.constant 2048 : i32
    %dma_wait3A_98 = tpu.memref_slice %arg6[%dma_wait3A_95, %dma_wait3A_96, %dma_wait3A_97] : memref<6x4x3072xf32, #tpu.memory_space<vmem>> -> memref<6x4x1024xf32, #tpu.memory_space<vmem>>
    %dma_wait3A_99 = arith.constant 0 : i32
    %dma_wait3A_100 = arith.constant 0 : i32
    %dma_wait3A_101 = tpu.memref_slice %arg2[%dma_wait3A_99, %dma_wait3A_86, %mul3A_2, %dma_wait3A_100] : memref<6x3x128x1024xf32, #tpu.memory_space<hbm>> -> memref<6x1x4x1024xf32, #tpu.memory_space<hbm>>
    %dma_wait3A_102 = tpu.memref_squeeze %dma_wait3A_101 : memref<6x1x4x1024xf32, #tpu.memory_space<hbm>> -> memref<6x4x1024xf32, #tpu.memory_space<hbm>>
    tpu.wait_dma2 semaphore(%arg7 : memref<!tpu.dma_semaphore, #tpu.memory_space<semaphore_mem>>) src(%dma_wait3A_102 : memref<6x4x1024xf32, #tpu.memory_space<hbm>>) dst(%dma_wait3A_98 : memref<6x4x1024xf32, #tpu.memory_space<vmem>>)
    %scan3A = arith.constant 0 : i32
    %scan3A_103 = arith.constant 0 : i32
    %scan3A_104 = arith.constant 8 : i32
    %scan3A_105 = arith.addi %scan3A_103, %scan3A_104 : i32
    %scan3A_106 = arith.constant 1 : i32
    scf.for %scan3A_114 = %scan3A_103 to %scan3A_105 step %scan3A_106  : i32 {
      %mul3A_115 = arith.constant 16 : i32
      %mul3A_116 = arith.muli %scan3A_114, %mul3A_115 : i32
      %get3A = arith.index_cast %mul3A_116 : i32 to index
      %get3A_117 = tpu.vector_load %arg5[%get3A] {strides = array<i32>} : memref<128xi32, #tpu.memory_space<vmem>>, vector<16xi32>,
      %get3A_118 = vector.shape_cast %get3A_117 : vector<16xi32> to vector<16xi32>
      %mul3A_119 = arith.constant 16 : i32
      %mul3A_120 = arith.muli %scan3A_114, %mul3A_119 : i32
      %add3A_121 = arith.constant 0 : i32
      %add3A_122 = arith.addi %mul3A_120, %add3A_121 : i32
      %slice3A = vector.extract_strided_slice %get3A_118 {offsets = [0], sizes = [1], strides = [1]} : vector<16xi32> to vector<1xi32>
      %squeeze3A = vector.extract %slice3A[0] : i32 from vector<1xi32>
      %dma_start3A_123 = arith.constant 0 : i32
      %dma_start3A_124 = arith.constant 0 : i32
      %dma_start3A_125 = tpu.memref_slice %arg6[%squeeze3A, %dma_start3A_123, %dma_start3A_124] : memref<6x4x3072xf32, #tpu.memory_space<vmem>> -> memref<1x4x3072xf32, #tpu.memory_space<vmem>>
      %dma_start3A_126 = tpu.memref_squeeze %dma_start3A_125 : memref<1x4x3072xf32, #tpu.memory_space<vmem>> -> memref<4x3072xf32, #tpu.memory_space<vmem>>
      %dma_start3A_127 = arith.constant 0 : i32
      %dma_start3A_128 = tpu.memref_slice %arg4[%add3A_122, %mul3A_2, %dma_start3A_127] : memref<128x128x3072xf32, #tpu.memory_space<hbm>> -> memref<1x4x3072xf32, #tpu.memory_space<hbm>>
      %dma_start3A_129 = tpu.memref_squeeze %dma_start3A_128 : memref<1x4x3072xf32, #tpu.memory_space<hbm>> -> memref<4x3072xf32, #tpu.memory_space<hbm>>
      %dma_start3A_130 = arith.constant 0 : i32
      %dma_start3A_131 = tpu.memref_slice %arg4[%add3A_122, %mul3A_2, %dma_start3A_130] : memref<128x128x3072xf32, #tpu.memory_space<hbm>> -> memref<1x4x3072xf32, #tpu.memory_space<hbm>>
      %dma_start3A_132 = tpu.memref_squeeze %dma_start3A_131 : memref<1x4x3072xf32, #tpu.memory_space<hbm>> -> memref<4x3072xf32, #tpu.memory_space<hbm>>
      %dma_start3A_133 = arith.constant 0 : i32
      %dma_start3A_134 = arith.constant 0 : i32
      %dma_start3A_135 = tpu.memref_slice %arg6[%squeeze3A, %dma_start3A_133, %dma_start3A_134] : memref<6x4x3072xf32, #tpu.memory_space<vmem>> -> memref<1x4x3072xf32, #tpu.memory_space<vmem>>
      %dma_start3A_136 = tpu.memref_squeeze %dma_start3A_135 : memref<1x4x3072xf32, #tpu.memory_space<vmem>> -> memref<4x3072xf32, #tpu.memory_space<vmem>>
      tpu.enqueue_dma source(%dma_start3A_136 : memref<4x3072xf32, #tpu.memory_space<vmem>>) target(%dma_start3A_132 : memref<4x3072xf32, #tpu.memory_space<hbm>>) target_semaphore(%arg8 : memref<!tpu.dma_semaphore, #tpu.memory_space<semaphore_mem>>)
      %mul3A_137 = arith.constant 16 : i32
      %mul3A_138 = arith.muli %scan3A_114, %mul3A_137 : i32
      %add3A_139 = arith.constant 1 : i32
      %add3A_140 = arith.addi %mul3A_138, %add3A_139 : i32
      %slice3A_141 = vector.extract_strided_slice %get3A_118 {offsets = [1], sizes = [1], strides = [1]} : vector<16xi32> to vector<1xi32>
      %squeeze3A_142 = vector.extract %slice3A_141[0] : i32 from vector<1xi32>
      %dma_start3A_143 = arith.constant 0 : i32
      %dma_start3A_144 = arith.constant 0 : i32
      %dma_start3A_145 = tpu.memref_slice %arg6[%squeeze3A_142, %dma_start3A_143, %dma_start3A_144] : memref<6x4x3072xf32, #tpu.memory_space<vmem>> -> memref<1x4x3072xf32, #tpu.memory_space<vmem>>
      %dma_start3A_146 = tpu.memref_squeeze %dma_start3A_145 : memref<1x4x3072xf32, #tpu.memory_space<vmem>> -> memref<4x3072xf32, #tpu.memory_space<vmem>>
      %dma_start3A_147 = arith.constant 0 : i32
      %dma_start3A_148 = tpu.memref_slice %arg4[%add3A_140, %mul3A_2, %dma_start3A_147] : memref<128x128x3072xf32, #tpu.memory_space<hbm>> -> memref<1x4x3072xf32, #tpu.memory_space<hbm>>
      %dma_start3A_149 = tpu.memref_squeeze %dma_start3A_148 : memref<1x4x3072xf32, #tpu.memory_space<hbm>> -> memref<4x3072xf32, #tpu.memory_space<hbm>>
      %dma_start3A_150 = arith.constant 0 : i32
      %dma_start3A_151 = tpu.memref_slice %arg4[%add3A_140, %mul3A_2, %dma_start3A_150] : memref<128x128x3072xf32, #tpu.memory_space<hbm>> -> memref<1x4x3072xf32, #tpu.memory_space<hbm>>
      %dma_start3A_152 = tpu.memref_squeeze %dma_start3A_151 : memref<1x4x3072xf32, #tpu.memory_space<hbm>> -> memref<4x3072xf32, #tpu.memory_space<hbm>>
      %dma_start3A_153 = arith.constant 0 : i32
      %dma_start3A_154 = arith.constant 0 : i32
      %dma_start3A_155 = tpu.memref_slice %arg6[%squeeze3A_142, %dma_start3A_153, %dma_start3A_154] : memref<6x4x3072xf32, #tpu.memory_space<vmem>> -> memref<1x4x3072xf32, #tpu.memory_space<vmem>>
      %dma_start3A_156 = tpu.memref_squeeze %dma_start3A_155 : memref<1x4x3072xf32, #tpu.memory_space<vmem>> -> memref<4x3072xf32, #tpu.memory_space<vmem>>
      tpu.enqueue_dma source(%dma_start3A_156 : memref<4x3072xf32, #tpu.memory_space<vmem>>) target(%dma_start3A_152 : memref<4x3072xf32, #tpu.memory_space<hbm>>) target_semaphore(%arg8 : memref<!tpu.dma_semaphore, #tpu.memory_space<semaphore_mem>>)
      %mul3A_157 = arith.constant 16 : i32
      %mul3A_158 = arith.muli %scan3A_114, %mul3A_157 : i32
      %add3A_159 = arith.constant 2 : i32
      %add3A_160 = arith.addi %mul3A_158, %add3A_159 : i32
      %slice3A_161 = vector.extract_strided_slice %get3A_118 {offsets = [2], sizes = [1], strides = [1]} : vector<16xi32> to vector<1xi32>
      %squeeze3A_162 = vector.extract %slice3A_161[0] : i32 from vector<1xi32>
      %dma_start3A_163 = arith.constant 0 : i32
      %dma_start3A_164 = arith.constant 0 : i32
      %dma_start3A_165 = tpu.memref_slice %arg6[%squeeze3A_162, %dma_start3A_163, %dma_start3A_164] : memref<6x4x3072xf32, #tpu.memory_space<vmem>> -> memref<1x4x3072xf32, #tpu.memory_space<vmem>>
      %dma_start3A_166 = tpu.memref_squeeze %dma_start3A_165 : memref<1x4x3072xf32, #tpu.memory_space<vmem>> -> memref<4x3072xf32, #tpu.memory_space<vmem>>
      %dma_start3A_167 = arith.constant 0 : i32
      %dma_start3A_168 = tpu.memref_slice %arg4[%add3A_160, %mul3A_2, %dma_start3A_167] : memref<128x128x3072xf32, #tpu.memory_space<hbm>> -> memref<1x4x3072xf32, #tpu.memory_space<hbm>>
      %dma_start3A_169 = tpu.memref_squeeze %dma_start3A_168 : memref<1x4x3072xf32, #tpu.memory_space<hbm>> -> memref<4x3072xf32, #tpu.memory_space<hbm>>
      %dma_start3A_170 = arith.constant 0 : i32
      %dma_start3A_171 = tpu.memref_slice %arg4[%add3A_160, %mul3A_2, %dma_start3A_170] : memref<128x128x3072xf32, #tpu.memory_space<hbm>> -> memref<1x4x3072xf32, #tpu.memory_space<hbm>>
      %dma_start3A_172 = tpu.memref_squeeze %dma_start3A_171 : memref<1x4x3072xf32, #tpu.memory_space<hbm>> -> memref<4x3072xf32, #tpu.memory_space<hbm>>
      %dma_start3A_173 = arith.constant 0 : i32
      %dma_start3A_174 = arith.constant 0 : i32
      %dma_start3A_175 = tpu.memref_slice %arg6[%squeeze3A_162, %dma_start3A_173, %dma_start3A_174] : memref<6x4x3072xf32, #tpu.memory_space<vmem>> -> memref<1x4x3072xf32, #tpu.memory_space<vmem>>
      %dma_start3A_176 = tpu.memref_squeeze %dma_start3A_175 : memref<1x4x3072xf32, #tpu.memory_space<vmem>> -> memref<4x3072xf32, #tpu.memory_space<vmem>>
      tpu.enqueue_dma source(%dma_start3A_176 : memref<4x3072xf32, #tpu.memory_space<vmem>>) target(%dma_start3A_172 : memref<4x3072xf32, #tpu.memory_space<hbm>>) target_semaphore(%arg8 : memref<!tpu.dma_semaphore, #tpu.memory_space<semaphore_mem>>)
      %mul3A_177 = arith.constant 16 : i32
      %mul3A_178 = arith.muli %scan3A_114, %mul3A_177 : i32
      %add3A_179 = arith.constant 3 : i32
      %add3A_180 = arith.addi %mul3A_178, %add3A_179 : i32
      %slice3A_181 = vector.extract_strided_slice %get3A_118 {offsets = [3], sizes = [1], strides = [1]} : vector<16xi32> to vector<1xi32>
      %squeeze3A_182 = vector.extract %slice3A_181[0] : i32 from vector<1xi32>
      %dma_start3A_183 = arith.constant 0 : i32
      %dma_start3A_184 = arith.constant 0 : i32
      %dma_start3A_185 = tpu.memref_slice %arg6[%squeeze3A_182, %dma_start3A_183, %dma_start3A_184] : memref<6x4x3072xf32, #tpu.memory_space<vmem>> -> memref<1x4x3072xf32, #tpu.memory_space<vmem>>
      %dma_start3A_186 = tpu.memref_squeeze %dma_start3A_185 : memref<1x4x3072xf32, #tpu.memory_space<vmem>> -> memref<4x3072xf32, #tpu.memory_space<vmem>>
      %dma_start3A_187 = arith.constant 0 : i32
      %dma_start3A_188 = tpu.memref_slice %arg4[%add3A_180, %mul3A_2, %dma_start3A_187] : memref<128x128x3072xf32, #tpu.memory_space<hbm>> -> memref<1x4x3072xf32, #tpu.memory_space<hbm>>
      %dma_start3A_189 = tpu.memref_squeeze %dma_start3A_188 : memref<1x4x3072xf32, #tpu.memory_space<hbm>> -> memref<4x3072xf32, #tpu.memory_space<hbm>>
      %dma_start3A_190 = arith.constant 0 : i32
      %dma_start3A_191 = tpu.memref_slice %arg4[%add3A_180, %mul3A_2, %dma_start3A_190] : memref<128x128x3072xf32, #tpu.memory_space<hbm>> -> memref<1x4x3072xf32, #tpu.memory_space<hbm>>
      %dma_start3A_192 = tpu.memref_squeeze %dma_start3A_191 : memref<1x4x3072xf32, #tpu.memory_space<hbm>> -> memref<4x3072xf32, #tpu.memory_space<hbm>>
      %dma_start3A_193 = arith.constant 0 : i32
      %dma_start3A_194 = arith.constant 0 : i32
      %dma_start3A_195 = tpu.memref_slice %arg6[%squeeze3A_182, %dma_start3A_193, %dma_start3A_194] : memref<6x4x3072xf32, #tpu.memory_space<vmem>> -> memref<1x4x3072xf32, #tpu.memory_space<vmem>>
      %dma_start3A_196 = tpu.memref_squeeze %dma_start3A_195 : memref<1x4x3072xf32, #tpu.memory_space<vmem>> -> memref<4x3072xf32, #tpu.memory_space<vmem>>
      tpu.enqueue_dma source(%dma_start3A_196 : memref<4x3072xf32, #tpu.memory_space<vmem>>) target(%dma_start3A_192 : memref<4x3072xf32, #tpu.memory_space<hbm>>) target_semaphore(%arg8 : memref<!tpu.dma_semaphore, #tpu.memory_space<semaphore_mem>>)
      %mul3A_197 = arith.constant 16 : i32
      %mul3A_198 = arith.muli %scan3A_114, %mul3A_197 : i32
      %add3A_199 = arith.constant 4 : i32
      %add3A_200 = arith.addi %mul3A_198, %add3A_199 : i32
      %slice3A_201 = vector.extract_strided_slice %get3A_118 {offsets = [4], sizes = [1], strides = [1]} : vector<16xi32> to vector<1xi32>
      %squeeze3A_202 = vector.extract %slice3A_201[0] : i32 from vector<1xi32>
      %dma_start3A_203 = arith.constant 0 : i32
      %dma_start3A_204 = arith.constant 0 : i32
      %dma_start3A_205 = tpu.memref_slice %arg6[%squeeze3A_202, %dma_start3A_203, %dma_start3A_204] : memref<6x4x3072xf32, #tpu.memory_space<vmem>> -> memref<1x4x3072xf32, #tpu.memory_space<vmem>>
      %dma_start3A_206 = tpu.memref_squeeze %dma_start3A_205 : memref<1x4x3072xf32, #tpu.memory_space<vmem>> -> memref<4x3072xf32, #tpu.memory_space<vmem>>
      %dma_start3A_207 = arith.constant 0 : i32
      %dma_start3A_208 = tpu.memref_slice %arg4[%add3A_200, %mul3A_2, %dma_start3A_207] : memref<128x128x3072xf32, #tpu.memory_space<hbm>> -> memref<1x4x3072xf32, #tpu.memory_space<hbm>>
      %dma_start3A_209 = tpu.memref_squeeze %dma_start3A_208 : memref<1x4x3072xf32, #tpu.memory_space<hbm>> -> memref<4x3072xf32, #tpu.memory_space<hbm>>
      %dma_start3A_210 = arith.constant 0 : i32
      %dma_start3A_211 = tpu.memref_slice %arg4[%add3A_200, %mul3A_2, %dma_start3A_210] : memref<128x128x3072xf32, #tpu.memory_space<hbm>> -> memref<1x4x3072xf32, #tpu.memory_space<hbm>>
      %dma_start3A_212 = tpu.memref_squeeze %dma_start3A_211 : memref<1x4x3072xf32, #tpu.memory_space<hbm>> -> memref<4x3072xf32, #tpu.memory_space<hbm>>
      %dma_start3A_213 = arith.constant 0 : i32
      %dma_start3A_214 = arith.constant 0 : i32
      %dma_start3A_215 = tpu.memref_slice %arg6[%squeeze3A_202, %dma_start3A_213, %dma_start3A_214] : memref<6x4x3072xf32, #tpu.memory_space<vmem>> -> memref<1x4x3072xf32, #tpu.memory_space<vmem>>
      %dma_start3A_216 = tpu.memref_squeeze %dma_start3A_215 : memref<1x4x3072xf32, #tpu.memory_space<vmem>> -> memref<4x3072xf32, #tpu.memory_space<vmem>>
      tpu.enqueue_dma source(%dma_start3A_216 : memref<4x3072xf32, #tpu.memory_space<vmem>>) target(%dma_start3A_212 : memref<4x3072xf32, #tpu.memory_space<hbm>>) target_semaphore(%arg8 : memref<!tpu.dma_semaphore, #tpu.memory_space<semaphore_mem>>)
      %mul3A_217 = arith.constant 16 : i32
      %mul3A_218 = arith.muli %scan3A_114, %mul3A_217 : i32
      %add3A_219 = arith.constant 5 : i32
      %add3A_220 = arith.addi %mul3A_218, %add3A_219 : i32
      %slice3A_221 = vector.extract_strided_slice %get3A_118 {offsets = [5], sizes = [1], strides = [1]} : vector<16xi32> to vector<1xi32>
      %squeeze3A_222 = vector.extract %slice3A_221[0] : i32 from vector<1xi32>
      %dma_start3A_223 = arith.constant 0 : i32
      %dma_start3A_224 = arith.constant 0 : i32
      %dma_start3A_225 = tpu.memref_slice %arg6[%squeeze3A_222, %dma_start3A_223, %dma_start3A_224] : memref<6x4x3072xf32, #tpu.memory_space<vmem>> -> memref<1x4x3072xf32, #tpu.memory_space<vmem>>
      %dma_start3A_226 = tpu.memref_squeeze %dma_start3A_225 : memref<1x4x3072xf32, #tpu.memory_space<vmem>> -> memref<4x3072xf32, #tpu.memory_space<vmem>>
      %dma_start3A_227 = arith.constant 0 : i32
      %dma_start3A_228 = tpu.memref_slice %arg4[%add3A_220, %mul3A_2, %dma_start3A_227] : memref<128x128x3072xf32, #tpu.memory_space<hbm>> -> memref<1x4x3072xf32, #tpu.memory_space<hbm>>
      %dma_start3A_229 = tpu.memref_squeeze %dma_start3A_228 : memref<1x4x3072xf32, #tpu.memory_space<hbm>> -> memref<4x3072xf32, #tpu.memory_space<hbm>>
      %dma_start3A_230 = arith.constant 0 : i32
      %dma_start3A_231 = tpu.memref_slice %arg4[%add3A_220, %mul3A_2, %dma_start3A_230] : memref<128x128x3072xf32, #tpu.memory_space<hbm>> -> memref<1x4x3072xf32, #tpu.memory_space<hbm>>
      %dma_start3A_232 = tpu.memref_squeeze %dma_start3A_231 : memref<1x4x3072xf32, #tpu.memory_space<hbm>> -> memref<4x3072xf32, #tpu.memory_space<hbm>>
      %dma_start3A_233 = arith.constant 0 : i32
      %dma_start3A_234 = arith.constant 0 : i32
      %dma_start3A_235 = tpu.memref_slice %arg6[%squeeze3A_222, %dma_start3A_233, %dma_start3A_234] : memref<6x4x3072xf32, #tpu.memory_space<vmem>> -> memref<1x4x3072xf32, #tpu.memory_space<vmem>>
      %dma_start3A_236 = tpu.memref_squeeze %dma_start3A_235 : memref<1x4x3072xf32, #tpu.memory_space<vmem>> -> memref<4x3072xf32, #tpu.memory_space<vmem>>
      tpu.enqueue_dma source(%dma_start3A_236 : memref<4x3072xf32, #tpu.memory_space<vmem>>) target(%dma_start3A_232 : memref<4x3072xf32, #tpu.memory_space<hbm>>) target_semaphore(%arg8 : memref<!tpu.dma_semaphore, #tpu.memory_space<semaphore_mem>>)
      %mul3A_237 = arith.constant 16 : i32
      %mul3A_238 = arith.muli %scan3A_114, %mul3A_237 : i32
      %add3A_239 = arith.constant 6 : i32
      %add3A_240 = arith.addi %mul3A_238, %add3A_239 : i32
      %slice3A_241 = vector.extract_strided_slice %get3A_118 {offsets = [6], sizes = [1], strides = [1]} : vector<16xi32> to vector<1xi32>
      %squeeze3A_242 = vector.extract %slice3A_241[0] : i32 from vector<1xi32>
      %dma_start3A_243 = arith.constant 0 : i32
      %dma_start3A_244 = arith.constant 0 : i32
      %dma_start3A_245 = tpu.memref_slice %arg6[%squeeze3A_242, %dma_start3A_243, %dma_start3A_244] : memref<6x4x3072xf32, #tpu.memory_space<vmem>> -> memref<1x4x3072xf32, #tpu.memory_space<vmem>>
      %dma_start3A_246 = tpu.memref_squeeze %dma_start3A_245 : memref<1x4x3072xf32, #tpu.memory_space<vmem>> -> memref<4x3072xf32, #tpu.memory_space<vmem>>
      %dma_start3A_247 = arith.constant 0 : i32
      %dma_start3A_248 = tpu.memref_slice %arg4[%add3A_240, %mul3A_2, %dma_start3A_247] : memref<128x128x3072xf32, #tpu.memory_space<hbm>> -> memref<1x4x3072xf32, #tpu.memory_space<hbm>>
      %dma_start3A_249 = tpu.memref_squeeze %dma_start3A_248 : memref<1x4x3072xf32, #tpu.memory_space<hbm>> -> memref<4x3072xf32, #tpu.memory_space<hbm>>
      %dma_start3A_250 = arith.constant 0 : i32
      %dma_start3A_251 = tpu.memref_slice %arg4[%add3A_240, %mul3A_2, %dma_start3A_250] : memref<128x128x3072xf32, #tpu.memory_space<hbm>> -> memref<1x4x3072xf32, #tpu.memory_space<hbm>>
      %dma_start3A_252 = tpu.memref_squeeze %dma_start3A_251 : memref<1x4x3072xf32, #tpu.memory_space<hbm>> -> memref<4x3072xf32, #tpu.memory_space<hbm>>
      %dma_start3A_253 = arith.constant 0 : i32
      %dma_start3A_254 = arith.constant 0 : i32
      %dma_start3A_255 = tpu.memref_slice %arg6[%squeeze3A_242, %dma_start3A_253, %dma_start3A_254] : memref<6x4x3072xf32, #tpu.memory_space<vmem>> -> memref<1x4x3072xf32, #tpu.memory_space<vmem>>
      %dma_start3A_256 = tpu.memref_squeeze %dma_start3A_255 : memref<1x4x3072xf32, #tpu.memory_space<vmem>> -> memref<4x3072xf32, #tpu.memory_space<vmem>>
      tpu.enqueue_dma source(%dma_start3A_256 : memref<4x3072xf32, #tpu.memory_space<vmem>>) target(%dma_start3A_252 : memref<4x3072xf32, #tpu.memory_space<hbm>>) target_semaphore(%arg8 : memref<!tpu.dma_semaphore, #tpu.memory_space<semaphore_mem>>)
      %mul3A_257 = arith.constant 16 : i32
      %mul3A_258 = arith.muli %scan3A_114, %mul3A_257 : i32
      %add3A_259 = arith.constant 7 : i32
      %add3A_260 = arith.addi %mul3A_258, %add3A_259 : i32
      %slice3A_261 = vector.extract_strided_slice %get3A_118 {offsets = [7], sizes = [1], strides = [1]} : vector<16xi32> to vector<1xi32>
      %squeeze3A_262 = vector.extract %slice3A_261[0] : i32 from vector<1xi32>
      %dma_start3A_263 = arith.constant 0 : i32
      %dma_start3A_264 = arith.constant 0 : i32
      %dma_start3A_265 = tpu.memref_slice %arg6[%squeeze3A_262, %dma_start3A_263, %dma_start3A_264] : memref<6x4x3072xf32, #tpu.memory_space<vmem>> -> memref<1x4x3072xf32, #tpu.memory_space<vmem>>
      %dma_start3A_266 = tpu.memref_squeeze %dma_start3A_265 : memref<1x4x3072xf32, #tpu.memory_space<vmem>> -> memref<4x3072xf32, #tpu.memory_space<vmem>>
      %dma_start3A_267 = arith.constant 0 : i32
      %dma_start3A_268 = tpu.memref_slice %arg4[%add3A_260, %mul3A_2, %dma_start3A_267] : memref<128x128x3072xf32, #tpu.memory_space<hbm>> -> memref<1x4x3072xf32, #tpu.memory_space<hbm>>
      %dma_start3A_269 = tpu.memref_squeeze %dma_start3A_268 : memref<1x4x3072xf32, #tpu.memory_space<hbm>> -> memref<4x3072xf32, #tpu.memory_space<hbm>>
      %dma_start3A_270 = arith.constant 0 : i32
      %dma_start3A_271 = tpu.memref_slice %arg4[%add3A_260, %mul3A_2, %dma_start3A_270] : memref<128x128x3072xf32, #tpu.memory_space<hbm>> -> memref<1x4x3072xf32, #tpu.memory_space<hbm>>
      %dma_start3A_272 = tpu.memref_squeeze %dma_start3A_271 : memref<1x4x3072xf32, #tpu.memory_space<hbm>> -> memref<4x3072xf32, #tpu.memory_space<hbm>>
      %dma_start3A_273 = arith.constant 0 : i32
      %dma_start3A_274 = arith.constant 0 : i32
      %dma_start3A_275 = tpu.memref_slice %arg6[%squeeze3A_262, %dma_start3A_273, %dma_start3A_274] : memref<6x4x3072xf32, #tpu.memory_space<vmem>> -> memref<1x4x3072xf32, #tpu.memory_space<vmem>>
      %dma_start3A_276 = tpu.memref_squeeze %dma_start3A_275 : memref<1x4x3072xf32, #tpu.memory_space<vmem>> -> memref<4x3072xf32, #tpu.memory_space<vmem>>
      tpu.enqueue_dma source(%dma_start3A_276 : memref<4x3072xf32, #tpu.memory_space<vmem>>) target(%dma_start3A_272 : memref<4x3072xf32, #tpu.memory_space<hbm>>) target_semaphore(%arg8 : memref<!tpu.dma_semaphore, #tpu.memory_space<semaphore_mem>>)
      %mul3A_277 = arith.constant 16 : i32
      %mul3A_278 = arith.muli %scan3A_114, %mul3A_277 : i32
      %add3A_279 = arith.constant 8 : i32
      %add3A_280 = arith.addi %mul3A_278, %add3A_279 : i32
      %slice3A_281 = vector.extract_strided_slice %get3A_118 {offsets = [8], sizes = [1], strides = [1]} : vector<16xi32> to vector<1xi32>
      %squeeze3A_282 = vector.extract %slice3A_281[0] : i32 from vector<1xi32>
      %dma_start3A_283 = arith.constant 0 : i32
      %dma_start3A_284 = arith.constant 0 : i32
      %dma_start3A_285 = tpu.memref_slice %arg6[%squeeze3A_282, %dma_start3A_283, %dma_start3A_284] : memref<6x4x3072xf32, #tpu.memory_space<vmem>> -> memref<1x4x3072xf32, #tpu.memory_space<vmem>>
      %dma_start3A_286 = tpu.memref_squeeze %dma_start3A_285 : memref<1x4x3072xf32, #tpu.memory_space<vmem>> -> memref<4x3072xf32, #tpu.memory_space<vmem>>
      %dma_start3A_287 = arith.constant 0 : i32
      %dma_start3A_288 = tpu.memref_slice %arg4[%add3A_280, %mul3A_2, %dma_start3A_287] : memref<128x128x3072xf32, #tpu.memory_space<hbm>> -> memref<1x4x3072xf32, #tpu.memory_space<hbm>>
      %dma_start3A_289 = tpu.memref_squeeze %dma_start3A_288 : memref<1x4x3072xf32, #tpu.memory_space<hbm>> -> memref<4x3072xf32, #tpu.memory_space<hbm>>
      %dma_start3A_290 = arith.constant 0 : i32
      %dma_start3A_291 = tpu.memref_slice %arg4[%add3A_280, %mul3A_2, %dma_start3A_290] : memref<128x128x3072xf32, #tpu.memory_space<hbm>> -> memref<1x4x3072xf32, #tpu.memory_space<hbm>>
      %dma_start3A_292 = tpu.memref_squeeze %dma_start3A_291 : memref<1x4x3072xf32, #tpu.memory_space<hbm>> -> memref<4x3072xf32, #tpu.memory_space<hbm>>
      %dma_start3A_293 = arith.constant 0 : i32
      %dma_start3A_294 = arith.constant 0 : i32
      %dma_start3A_295 = tpu.memref_slice %arg6[%squeeze3A_282, %dma_start3A_293, %dma_start3A_294] : memref<6x4x3072xf32, #tpu.memory_space<vmem>> -> memref<1x4x3072xf32, #tpu.memory_space<vmem>>
      %dma_start3A_296 = tpu.memref_squeeze %dma_start3A_295 : memref<1x4x3072xf32, #tpu.memory_space<vmem>> -> memref<4x3072xf32, #tpu.memory_space<vmem>>
      tpu.enqueue_dma source(%dma_start3A_296 : memref<4x3072xf32, #tpu.memory_space<vmem>>) target(%dma_start3A_292 : memref<4x3072xf32, #tpu.memory_space<hbm>>) target_semaphore(%arg8 : memref<!tpu.dma_semaphore, #tpu.memory_space<semaphore_mem>>)
      %mul3A_297 = arith.constant 16 : i32
      %mul3A_298 = arith.muli %scan3A_114, %mul3A_297 : i32
      %add3A_299 = arith.constant 9 : i32
      %add3A_300 = arith.addi %mul3A_298, %add3A_299 : i32
      %slice3A_301 = vector.extract_strided_slice %get3A_118 {offsets = [9], sizes = [1], strides = [1]} : vector<16xi32> to vector<1xi32>
      %squeeze3A_302 = vector.extract %slice3A_301[0] : i32 from vector<1xi32>
      %dma_start3A_303 = arith.constant 0 : i32
      %dma_start3A_304 = arith.constant 0 : i32
      %dma_start3A_305 = tpu.memref_slice %arg6[%squeeze3A_302, %dma_start3A_303, %dma_start3A_304] : memref<6x4x3072xf32, #tpu.memory_space<vmem>> -> memref<1x4x3072xf32, #tpu.memory_space<vmem>>
      %dma_start3A_306 = tpu.memref_squeeze %dma_start3A_305 : memref<1x4x3072xf32, #tpu.memory_space<vmem>> -> memref<4x3072xf32, #tpu.memory_space<vmem>>
      %dma_start3A_307 = arith.constant 0 : i32
      %dma_start3A_308 = tpu.memref_slice %arg4[%add3A_300, %mul3A_2, %dma_start3A_307] : memref<128x128x3072xf32, #tpu.memory_space<hbm>> -> memref<1x4x3072xf32, #tpu.memory_space<hbm>>
      %dma_start3A_309 = tpu.memref_squeeze %dma_start3A_308 : memref<1x4x3072xf32, #tpu.memory_space<hbm>> -> memref<4x3072xf32, #tpu.memory_space<hbm>>
      %dma_start3A_310 = arith.constant 0 : i32
      %dma_start3A_311 = tpu.memref_slice %arg4[%add3A_300, %mul3A_2, %dma_start3A_310] : memref<128x128x3072xf32, #tpu.memory_space<hbm>> -> memref<1x4x3072xf32, #tpu.memory_space<hbm>>
      %dma_start3A_312 = tpu.memref_squeeze %dma_start3A_311 : memref<1x4x3072xf32, #tpu.memory_space<hbm>> -> memref<4x3072xf32, #tpu.memory_space<hbm>>
      %dma_start3A_313 = arith.constant 0 : i32
      %dma_start3A_314 = arith.constant 0 : i32
      %dma_start3A_315 = tpu.memref_slice %arg6[%squeeze3A_302, %dma_start3A_313, %dma_start3A_314] : memref<6x4x3072xf32, #tpu.memory_space<vmem>> -> memref<1x4x3072xf32, #tpu.memory_space<vmem>>
      %dma_start3A_316 = tpu.memref_squeeze %dma_start3A_315 : memref<1x4x3072xf32, #tpu.memory_space<vmem>> -> memref<4x3072xf32, #tpu.memory_space<vmem>>
      tpu.enqueue_dma source(%dma_start3A_316 : memref<4x3072xf32, #tpu.memory_space<vmem>>) target(%dma_start3A_312 : memref<4x3072xf32, #tpu.memory_space<hbm>>) target_semaphore(%arg8 : memref<!tpu.dma_semaphore, #tpu.memory_space<semaphore_mem>>)
      %mul3A_317 = arith.constant 16 : i32
      %mul3A_318 = arith.muli %scan3A_114, %mul3A_317 : i32
      %add3A_319 = arith.constant 10 : i32
      %add3A_320 = arith.addi %mul3A_318, %add3A_319 : i32
      %slice3A_321 = vector.extract_strided_slice %get3A_118 {offsets = [10], sizes = [1], strides = [1]} : vector<16xi32> to vector<1xi32>
      %squeeze3A_322 = vector.extract %slice3A_321[0] : i32 from vector<1xi32>
      %dma_start3A_323 = arith.constant 0 : i32
      %dma_start3A_324 = arith.constant 0 : i32
      %dma_start3A_325 = tpu.memref_slice %arg6[%squeeze3A_322, %dma_start3A_323, %dma_start3A_324] : memref<6x4x3072xf32, #tpu.memory_space<vmem>> -> memref<1x4x3072xf32, #tpu.memory_space<vmem>>
      %dma_start3A_326 = tpu.memref_squeeze %dma_start3A_325 : memref<1x4x3072xf32, #tpu.memory_space<vmem>> -> memref<4x3072xf32, #tpu.memory_space<vmem>>
      %dma_start3A_327 = arith.constant 0 : i32
      %dma_start3A_328 = tpu.memref_slice %arg4[%add3A_320, %mul3A_2, %dma_start3A_327] : memref<128x128x3072xf32, #tpu.memory_space<hbm>> -> memref<1x4x3072xf32, #tpu.memory_space<hbm>>
      %dma_start3A_329 = tpu.memref_squeeze %dma_start3A_328 : memref<1x4x3072xf32, #tpu.memory_space<hbm>> -> memref<4x3072xf32, #tpu.memory_space<hbm>>
      %dma_start3A_330 = arith.constant 0 : i32
      %dma_start3A_331 = tpu.memref_slice %arg4[%add3A_320, %mul3A_2, %dma_start3A_330] : memref<128x128x3072xf32, #tpu.memory_space<hbm>> -> memref<1x4x3072xf32, #tpu.memory_space<hbm>>
      %dma_start3A_332 = tpu.memref_squeeze %dma_start3A_331 : memref<1x4x3072xf32, #tpu.memory_space<hbm>> -> memref<4x3072xf32, #tpu.memory_space<hbm>>
      %dma_start3A_333 = arith.constant 0 : i32
      %dma_start3A_334 = arith.constant 0 : i32
      %dma_start3A_335 = tpu.memref_slice %arg6[%squeeze3A_322, %dma_start3A_333, %dma_start3A_334] : memref<6x4x3072xf32, #tpu.memory_space<vmem>> -> memref<1x4x3072xf32, #tpu.memory_space<vmem>>
      %dma_start3A_336 = tpu.memref_squeeze %dma_start3A_335 : memref<1x4x3072xf32, #tpu.memory_space<vmem>> -> memref<4x3072xf32, #tpu.memory_space<vmem>>
      tpu.enqueue_dma source(%dma_start3A_336 : memref<4x3072xf32, #tpu.memory_space<vmem>>) target(%dma_start3A_332 : memref<4x3072xf32, #tpu.memory_space<hbm>>) target_semaphore(%arg8 : memref<!tpu.dma_semaphore, #tpu.memory_space<semaphore_mem>>)
      %mul3A_337 = arith.constant 16 : i32
      %mul3A_338 = arith.muli %scan3A_114, %mul3A_337 : i32
      %add3A_339 = arith.constant 11 : i32
      %add3A_340 = arith.addi %mul3A_338, %add3A_339 : i32
      %slice3A_341 = vector.extract_strided_slice %get3A_118 {offsets = [11], sizes = [1], strides = [1]} : vector<16xi32> to vector<1xi32>
      %squeeze3A_342 = vector.extract %slice3A_341[0] : i32 from vector<1xi32>
      %dma_start3A_343 = arith.constant 0 : i32
      %dma_start3A_344 = arith.constant 0 : i32
      %dma_start3A_345 = tpu.memref_slice %arg6[%squeeze3A_342, %dma_start3A_343, %dma_start3A_344] : memref<6x4x3072xf32, #tpu.memory_space<vmem>> -> memref<1x4x3072xf32, #tpu.memory_space<vmem>>
      %dma_start3A_346 = tpu.memref_squeeze %dma_start3A_345 : memref<1x4x3072xf32, #tpu.memory_space<vmem>> -> memref<4x3072xf32, #tpu.memory_space<vmem>>
      %dma_start3A_347 = arith.constant 0 : i32
      %dma_start3A_348 = tpu.memref_slice %arg4[%add3A_340, %mul3A_2, %dma_start3A_347] : memref<128x128x3072xf32, #tpu.memory_space<hbm>> -> memref<1x4x3072xf32, #tpu.memory_space<hbm>>
      %dma_start3A_349 = tpu.memref_squeeze %dma_start3A_348 : memref<1x4x3072xf32, #tpu.memory_space<hbm>> -> memref<4x3072xf32, #tpu.memory_space<hbm>>
      %dma_start3A_350 = arith.constant 0 : i32
      %dma_start3A_351 = tpu.memref_slice %arg4[%add3A_340, %mul3A_2, %dma_start3A_350] : memref<128x128x3072xf32, #tpu.memory_space<hbm>> -> memref<1x4x3072xf32, #tpu.memory_space<hbm>>
      %dma_start3A_352 = tpu.memref_squeeze %dma_start3A_351 : memref<1x4x3072xf32, #tpu.memory_space<hbm>> -> memref<4x3072xf32, #tpu.memory_space<hbm>>
      %dma_start3A_353 = arith.constant 0 : i32
      %dma_start3A_354 = arith.constant 0 : i32
      %dma_start3A_355 = tpu.memref_slice %arg6[%squeeze3A_342, %dma_start3A_353, %dma_start3A_354] : memref<6x4x3072xf32, #tpu.memory_space<vmem>> -> memref<1x4x3072xf32, #tpu.memory_space<vmem>>
      %dma_start3A_356 = tpu.memref_squeeze %dma_start3A_355 : memref<1x4x3072xf32, #tpu.memory_space<vmem>> -> memref<4x3072xf32, #tpu.memory_space<vmem>>
      tpu.enqueue_dma source(%dma_start3A_356 : memref<4x3072xf32, #tpu.memory_space<vmem>>) target(%dma_start3A_352 : memref<4x3072xf32, #tpu.memory_space<hbm>>) target_semaphore(%arg8 : memref<!tpu.dma_semaphore, #tpu.memory_space<semaphore_mem>>)
      %mul3A_357 = arith.constant 16 : i32
      %mul3A_358 = arith.muli %scan3A_114, %mul3A_357 : i32
      %add3A_359 = arith.constant 12 : i32
      %add3A_360 = arith.addi %mul3A_358, %add3A_359 : i32
      %slice3A_361 = vector.extract_strided_slice %get3A_118 {offsets = [12], sizes = [1], strides = [1]} : vector<16xi32> to vector<1xi32>
      %squeeze3A_362 = vector.extract %slice3A_361[0] : i32 from vector<1xi32>
      %dma_start3A_363 = arith.constant 0 : i32
      %dma_start3A_364 = arith.constant 0 : i32
      %dma_start3A_365 = tpu.memref_slice %arg6[%squeeze3A_362, %dma_start3A_363, %dma_start3A_364] : memref<6x4x3072xf32, #tpu.memory_space<vmem>> -> memref<1x4x3072xf32, #tpu.memory_space<vmem>>
      %dma_start3A_366 = tpu.memref_squeeze %dma_start3A_365 : memref<1x4x3072xf32, #tpu.memory_space<vmem>> -> memref<4x3072xf32, #tpu.memory_space<vmem>>
      %dma_start3A_367 = arith.constant 0 : i32
      %dma_start3A_368 = tpu.memref_slice %arg4[%add3A_360, %mul3A_2, %dma_start3A_367] : memref<128x128x3072xf32, #tpu.memory_space<hbm>> -> memref<1x4x3072xf32, #tpu.memory_space<hbm>>
      %dma_start3A_369 = tpu.memref_squeeze %dma_start3A_368 : memref<1x4x3072xf32, #tpu.memory_space<hbm>> -> memref<4x3072xf32, #tpu.memory_space<hbm>>
      %dma_start3A_370 = arith.constant 0 : i32
      %dma_start3A_371 = tpu.memref_slice %arg4[%add3A_360, %mul3A_2, %dma_start3A_370] : memref<128x128x3072xf32, #tpu.memory_space<hbm>> -> memref<1x4x3072xf32, #tpu.memory_space<hbm>>
      %dma_start3A_372 = tpu.memref_squeeze %dma_start3A_371 : memref<1x4x3072xf32, #tpu.memory_space<hbm>> -> memref<4x3072xf32, #tpu.memory_space<hbm>>
      %dma_start3A_373 = arith.constant 0 : i32
      %dma_start3A_374 = arith.constant 0 : i32
      %dma_start3A_375 = tpu.memref_slice %arg6[%squeeze3A_362, %dma_start3A_373, %dma_start3A_374] : memref<6x4x3072xf32, #tpu.memory_space<vmem>> -> memref<1x4x3072xf32, #tpu.memory_space<vmem>>
      %dma_start3A_376 = tpu.memref_squeeze %dma_start3A_375 : memref<1x4x3072xf32, #tpu.memory_space<vmem>> -> memref<4x3072xf32, #tpu.memory_space<vmem>>
      tpu.enqueue_dma source(%dma_start3A_376 : memref<4x3072xf32, #tpu.memory_space<vmem>>) target(%dma_start3A_372 : memref<4x3072xf32, #tpu.memory_space<hbm>>) target_semaphore(%arg8 : memref<!tpu.dma_semaphore, #tpu.memory_space<semaphore_mem>>)
      %mul3A_377 = arith.constant 16 : i32
      %mul3A_378 = arith.muli %scan3A_114, %mul3A_377 : i32
      %add3A_379 = arith.constant 13 : i32
      %add3A_380 = arith.addi %mul3A_378, %add3A_379 : i32
      %slice3A_381 = vector.extract_strided_slice %get3A_118 {offsets = [13], sizes = [1], strides = [1]} : vector<16xi32> to vector<1xi32>
      %squeeze3A_382 = vector.extract %slice3A_381[0] : i32 from vector<1xi32>
      %dma_start3A_383 = arith.constant 0 : i32
      %dma_start3A_384 = arith.constant 0 : i32
      %dma_start3A_385 = tpu.memref_slice %arg6[%squeeze3A_382, %dma_start3A_383, %dma_start3A_384] : memref<6x4x3072xf32, #tpu.memory_space<vmem>> -> memref<1x4x3072xf32, #tpu.memory_space<vmem>>
      %dma_start3A_386 = tpu.memref_squeeze %dma_start3A_385 : memref<1x4x3072xf32, #tpu.memory_space<vmem>> -> memref<4x3072xf32, #tpu.memory_space<vmem>>
      %dma_start3A_387 = arith.constant 0 : i32
      %dma_start3A_388 = tpu.memref_slice %arg4[%add3A_380, %mul3A_2, %dma_start3A_387] : memref<128x128x3072xf32, #tpu.memory_space<hbm>> -> memref<1x4x3072xf32, #tpu.memory_space<hbm>>
      %dma_start3A_389 = tpu.memref_squeeze %dma_start3A_388 : memref<1x4x3072xf32, #tpu.memory_space<hbm>> -> memref<4x3072xf32, #tpu.memory_space<hbm>>
      %dma_start3A_390 = arith.constant 0 : i32
      %dma_start3A_391 = tpu.memref_slice %arg4[%add3A_380, %mul3A_2, %dma_start3A_390] : memref<128x128x3072xf32, #tpu.memory_space<hbm>> -> memref<1x4x3072xf32, #tpu.memory_space<hbm>>
      %dma_start3A_392 = tpu.memref_squeeze %dma_start3A_391 : memref<1x4x3072xf32, #tpu.memory_space<hbm>> -> memref<4x3072xf32, #tpu.memory_space<hbm>>
      %dma_start3A_393 = arith.constant 0 : i32
      %dma_start3A_394 = arith.constant 0 : i32
      %dma_start3A_395 = tpu.memref_slice %arg6[%squeeze3A_382, %dma_start3A_393, %dma_start3A_394] : memref<6x4x3072xf32, #tpu.memory_space<vmem>> -> memref<1x4x3072xf32, #tpu.memory_space<vmem>>
      %dma_start3A_396 = tpu.memref_squeeze %dma_start3A_395 : memref<1x4x3072xf32, #tpu.memory_space<vmem>> -> memref<4x3072xf32, #tpu.memory_space<vmem>>
      tpu.enqueue_dma source(%dma_start3A_396 : memref<4x3072xf32, #tpu.memory_space<vmem>>) target(%dma_start3A_392 : memref<4x3072xf32, #tpu.memory_space<hbm>>) target_semaphore(%arg8 : memref<!tpu.dma_semaphore, #tpu.memory_space<semaphore_mem>>)
      %mul3A_397 = arith.constant 16 : i32
      %mul3A_398 = arith.muli %scan3A_114, %mul3A_397 : i32
      %add3A_399 = arith.constant 14 : i32
      %add3A_400 = arith.addi %mul3A_398, %add3A_399 : i32
      %slice3A_401 = vector.extract_strided_slice %get3A_118 {offsets = [14], sizes = [1], strides = [1]} : vector<16xi32> to vector<1xi32>
      %squeeze3A_402 = vector.extract %slice3A_401[0] : i32 from vector<1xi32>
      %dma_start3A_403 = arith.constant 0 : i32
      %dma_start3A_404 = arith.constant 0 : i32
      %dma_start3A_405 = tpu.memref_slice %arg6[%squeeze3A_402, %dma_start3A_403, %dma_start3A_404] : memref<6x4x3072xf32, #tpu.memory_space<vmem>> -> memref<1x4x3072xf32, #tpu.memory_space<vmem>>
      %dma_start3A_406 = tpu.memref_squeeze %dma_start3A_405 : memref<1x4x3072xf32, #tpu.memory_space<vmem>> -> memref<4x3072xf32, #tpu.memory_space<vmem>>
      %dma_start3A_407 = arith.constant 0 : i32
      %dma_start3A_408 = tpu.memref_slice %arg4[%add3A_400, %mul3A_2, %dma_start3A_407] : memref<128x128x3072xf32, #tpu.memory_space<hbm>> -> memref<1x4x3072xf32, #tpu.memory_space<hbm>>
      %dma_start3A_409 = tpu.memref_squeeze %dma_start3A_408 : memref<1x4x3072xf32, #tpu.memory_space<hbm>> -> memref<4x3072xf32, #tpu.memory_space<hbm>>
      %dma_start3A_410 = arith.constant 0 : i32
      %dma_start3A_411 = tpu.memref_slice %arg4[%add3A_400, %mul3A_2, %dma_start3A_410] : memref<128x128x3072xf32, #tpu.memory_space<hbm>> -> memref<1x4x3072xf32, #tpu.memory_space<hbm>>
      %dma_start3A_412 = tpu.memref_squeeze %dma_start3A_411 : memref<1x4x3072xf32, #tpu.memory_space<hbm>> -> memref<4x3072xf32, #tpu.memory_space<hbm>>
      %dma_start3A_413 = arith.constant 0 : i32
      %dma_start3A_414 = arith.constant 0 : i32
      %dma_start3A_415 = tpu.memref_slice %arg6[%squeeze3A_402, %dma_start3A_413, %dma_start3A_414] : memref<6x4x3072xf32, #tpu.memory_space<vmem>> -> memref<1x4x3072xf32, #tpu.memory_space<vmem>>
      %dma_start3A_416 = tpu.memref_squeeze %dma_start3A_415 : memref<1x4x3072xf32, #tpu.memory_space<vmem>> -> memref<4x3072xf32, #tpu.memory_space<vmem>>
      tpu.enqueue_dma source(%dma_start3A_416 : memref<4x3072xf32, #tpu.memory_space<vmem>>) target(%dma_start3A_412 : memref<4x3072xf32, #tpu.memory_space<hbm>>) target_semaphore(%arg8 : memref<!tpu.dma_semaphore, #tpu.memory_space<semaphore_mem>>)
      %mul3A_417 = arith.constant 16 : i32
      %mul3A_418 = arith.muli %scan3A_114, %mul3A_417 : i32
      %add3A_419 = arith.constant 15 : i32
      %add3A_420 = arith.addi %mul3A_418, %add3A_419 : i32
      %slice3A_421 = vector.extract_strided_slice %get3A_118 {offsets = [15], sizes = [1], strides = [1]} : vector<16xi32> to vector<1xi32>
      %squeeze3A_422 = vector.extract %slice3A_421[0] : i32 from vector<1xi32>
      %dma_start3A_423 = arith.constant 0 : i32
      %dma_start3A_424 = arith.constant 0 : i32
      %dma_start3A_425 = tpu.memref_slice %arg6[%squeeze3A_422, %dma_start3A_423, %dma_start3A_424] : memref<6x4x3072xf32, #tpu.memory_space<vmem>> -> memref<1x4x3072xf32, #tpu.memory_space<vmem>>
      %dma_start3A_426 = tpu.memref_squeeze %dma_start3A_425 : memref<1x4x3072xf32, #tpu.memory_space<vmem>> -> memref<4x3072xf32, #tpu.memory_space<vmem>>
      %dma_start3A_427 = arith.constant 0 : i32
      %dma_start3A_428 = tpu.memref_slice %arg4[%add3A_420, %mul3A_2, %dma_start3A_427] : memref<128x128x3072xf32, #tpu.memory_space<hbm>> -> memref<1x4x3072xf32, #tpu.memory_space<hbm>>
      %dma_start3A_429 = tpu.memref_squeeze %dma_start3A_428 : memref<1x4x3072xf32, #tpu.memory_space<hbm>> -> memref<4x3072xf32, #tpu.memory_space<hbm>>
      %dma_start3A_430 = arith.constant 0 : i32
      %dma_start3A_431 = tpu.memref_slice %arg4[%add3A_420, %mul3A_2, %dma_start3A_430] : memref<128x128x3072xf32, #tpu.memory_space<hbm>> -> memref<1x4x3072xf32, #tpu.memory_space<hbm>>
      %dma_start3A_432 = tpu.memref_squeeze %dma_start3A_431 : memref<1x4x3072xf32, #tpu.memory_space<hbm>> -> memref<4x3072xf32, #tpu.memory_space<hbm>>
      %dma_start3A_433 = arith.constant 0 : i32
      %dma_start3A_434 = arith.constant 0 : i32
      %dma_start3A_435 = tpu.memref_slice %arg6[%squeeze3A_422, %dma_start3A_433, %dma_start3A_434] : memref<6x4x3072xf32, #tpu.memory_space<vmem>> -> memref<1x4x3072xf32, #tpu.memory_space<vmem>>
      %dma_start3A_436 = tpu.memref_squeeze %dma_start3A_435 : memref<1x4x3072xf32, #tpu.memory_space<vmem>> -> memref<4x3072xf32, #tpu.memory_space<vmem>>
      tpu.enqueue_dma source(%dma_start3A_436 : memref<4x3072xf32, #tpu.memory_space<vmem>>) target(%dma_start3A_432 : memref<4x3072xf32, #tpu.memory_space<hbm>>) target_semaphore(%arg8 : memref<!tpu.dma_semaphore, #tpu.memory_space<semaphore_mem>>)
    }
    %scan3A_107 = arith.constant 8 : i32
    %scan3A_108 = arith.constant 0 : i32
    %scan3A_109 = arith.constant 0 : i32
    %scan3A_110 = arith.constant 8 : i32
    %scan3A_111 = arith.addi %scan3A_109, %scan3A_110 : i32
    %scan3A_112 = arith.constant 1 : i32
    scf.for %scan3A_114 = %scan3A_109 to %scan3A_111 step %scan3A_112  : i32 {
      %mul3A_115 = arith.constant 16 : i32
      %mul3A_116 = arith.muli %scan3A_114, %mul3A_115 : i32
      %get3A = arith.index_cast %mul3A_116 : i32 to index
      %get3A_117 = tpu.vector_load %arg5[%get3A] {strides = array<i32>} : memref<128xi32, #tpu.memory_space<vmem>>, vector<16xi32>,
      %get3A_118 = vector.shape_cast %get3A_117 : vector<16xi32> to vector<16xi32>
      %mul3A_119 = arith.constant 16 : i32
      %mul3A_120 = arith.muli %scan3A_114, %mul3A_119 : i32
      %add3A_121 = arith.constant 0 : i32
      %add3A_122 = arith.addi %mul3A_120, %add3A_121 : i32
      %slice3A = vector.extract_strided_slice %get3A_118 {offsets = [0], sizes = [1], strides = [1]} : vector<16xi32> to vector<1xi32>
      %squeeze3A = vector.extract %slice3A[0] : i32 from vector<1xi32>
      %dma_wait3A_123 = arith.constant 0 : i32
      %dma_wait3A_124 = arith.constant 0 : i32
      %dma_wait3A_125 = tpu.memref_slice %arg6[%squeeze3A, %dma_wait3A_123, %dma_wait3A_124] : memref<6x4x3072xf32, #tpu.memory_space<vmem>> -> memref<1x4x3072xf32, #tpu.memory_space<vmem>>
      %dma_wait3A_126 = tpu.memref_squeeze %dma_wait3A_125 : memref<1x4x3072xf32, #tpu.memory_space<vmem>> -> memref<4x3072xf32, #tpu.memory_space<vmem>>
      %dma_wait3A_127 = arith.constant 0 : i32
      %dma_wait3A_128 = tpu.memref_slice %arg4[%add3A_122, %mul3A_2, %dma_wait3A_127] : memref<128x128x3072xf32, #tpu.memory_space<hbm>> -> memref<1x4x3072xf32, #tpu.memory_space<hbm>>
      %dma_wait3A_129 = tpu.memref_squeeze %dma_wait3A_128 : memref<1x4x3072xf32, #tpu.memory_space<hbm>> -> memref<4x3072xf32, #tpu.memory_space<hbm>>
      %dma_wait3A_130 = arith.constant 0 : i32
      %dma_wait3A_131 = tpu.memref_slice %arg4[%add3A_122, %mul3A_2, %dma_wait3A_130] : memref<128x128x3072xf32, #tpu.memory_space<hbm>> -> memref<1x4x3072xf32, #tpu.memory_space<hbm>>
      %dma_wait3A_132 = tpu.memref_squeeze %dma_wait3A_131 : memref<1x4x3072xf32, #tpu.memory_space<hbm>> -> memref<4x3072xf32, #tpu.memory_space<hbm>>
      %dma_wait3A_133 = arith.constant 0 : i32
      %dma_wait3A_134 = arith.constant 0 : i32
      %dma_wait3A_135 = tpu.memref_slice %arg6[%squeeze3A, %dma_wait3A_133, %dma_wait3A_134] : memref<6x4x3072xf32, #tpu.memory_space<vmem>> -> memref<1x4x3072xf32, #tpu.memory_space<vmem>>
      %dma_wait3A_136 = tpu.memref_squeeze %dma_wait3A_135 : memref<1x4x3072xf32, #tpu.memory_space<vmem>> -> memref<4x3072xf32, #tpu.memory_space<vmem>>
      tpu.wait_dma2 semaphore(%arg8 : memref<!tpu.dma_semaphore, #tpu.memory_space<semaphore_mem>>) src(%dma_wait3A_136 : memref<4x3072xf32, #tpu.memory_space<vmem>>) dst(%dma_wait3A_132 : memref<4x3072xf32, #tpu.memory_space<hbm>>)
      %mul3A_137 = arith.constant 16 : i32
      %mul3A_138 = arith.muli %scan3A_114, %mul3A_137 : i32
      %add3A_139 = arith.constant 1 : i32
      %add3A_140 = arith.addi %mul3A_138, %add3A_139 : i32
      %slice3A_141 = vector.extract_strided_slice %get3A_118 {offsets = [1], sizes = [1], strides = [1]} : vector<16xi32> to vector<1xi32>
      %squeeze3A_142 = vector.extract %slice3A_141[0] : i32 from vector<1xi32>
      %dma_wait3A_143 = arith.constant 0 : i32
      %dma_wait3A_144 = arith.constant 0 : i32
      %dma_wait3A_145 = tpu.memref_slice %arg6[%squeeze3A_142, %dma_wait3A_143, %dma_wait3A_144] : memref<6x4x3072xf32, #tpu.memory_space<vmem>> -> memref<1x4x3072xf32, #tpu.memory_space<vmem>>
      %dma_wait3A_146 = tpu.memref_squeeze %dma_wait3A_145 : memref<1x4x3072xf32, #tpu.memory_space<vmem>> -> memref<4x3072xf32, #tpu.memory_space<vmem>>
      %dma_wait3A_147 = arith.constant 0 : i32
      %dma_wait3A_148 = tpu.memref_slice %arg4[%add3A_140, %mul3A_2, %dma_wait3A_147] : memref<128x128x3072xf32, #tpu.memory_space<hbm>> -> memref<1x4x3072xf32, #tpu.memory_space<hbm>>
      %dma_wait3A_149 = tpu.memref_squeeze %dma_wait3A_148 : memref<1x4x3072xf32, #tpu.memory_space<hbm>> -> memref<4x3072xf32, #tpu.memory_space<hbm>>
      %dma_wait3A_150 = arith.constant 0 : i32
      %dma_wait3A_151 = tpu.memref_slice %arg4[%add3A_140, %mul3A_2, %dma_wait3A_150] : memref<128x128x3072xf32, #tpu.memory_space<hbm>> -> memref<1x4x3072xf32, #tpu.memory_space<hbm>>
      %dma_wait3A_152 = tpu.memref_squeeze %dma_wait3A_151 : memref<1x4x3072xf32, #tpu.memory_space<hbm>> -> memref<4x3072xf32, #tpu.memory_space<hbm>>
      %dma_wait3A_153 = arith.constant 0 : i32
      %dma_wait3A_154 = arith.constant 0 : i32
      %dma_wait3A_155 = tpu.memref_slice %arg6[%squeeze3A_142, %dma_wait3A_153, %dma_wait3A_154] : memref<6x4x3072xf32, #tpu.memory_space<vmem>> -> memref<1x4x3072xf32, #tpu.memory_space<vmem>>
      %dma_wait3A_156 = tpu.memref_squeeze %dma_wait3A_155 : memref<1x4x3072xf32, #tpu.memory_space<vmem>> -> memref<4x3072xf32, #tpu.memory_space<vmem>>
      tpu.wait_dma2 semaphore(%arg8 : memref<!tpu.dma_semaphore, #tpu.memory_space<semaphore_mem>>) src(%dma_wait3A_156 : memref<4x3072xf32, #tpu.memory_space<vmem>>) dst(%dma_wait3A_152 : memref<4x3072xf32, #tpu.memory_space<hbm>>)
      %mul3A_157 = arith.constant 16 : i32
      %mul3A_158 = arith.muli %scan3A_114, %mul3A_157 : i32
      %add3A_159 = arith.constant 2 : i32
      %add3A_160 = arith.addi %mul3A_158, %add3A_159 : i32
      %slice3A_161 = vector.extract_strided_slice %get3A_118 {offsets = [2], sizes = [1], strides = [1]} : vector<16xi32> to vector<1xi32>
      %squeeze3A_162 = vector.extract %slice3A_161[0] : i32 from vector<1xi32>
      %dma_wait3A_163 = arith.constant 0 : i32
      %dma_wait3A_164 = arith.constant 0 : i32
      %dma_wait3A_165 = tpu.memref_slice %arg6[%squeeze3A_162, %dma_wait3A_163, %dma_wait3A_164] : memref<6x4x3072xf32, #tpu.memory_space<vmem>> -> memref<1x4x3072xf32, #tpu.memory_space<vmem>>
      %dma_wait3A_166 = tpu.memref_squeeze %dma_wait3A_165 : memref<1x4x3072xf32, #tpu.memory_space<vmem>> -> memref<4x3072xf32, #tpu.memory_space<vmem>>
      %dma_wait3A_167 = arith.constant 0 : i32
      %dma_wait3A_168 = tpu.memref_slice %arg4[%add3A_160, %mul3A_2, %dma_wait3A_167] : memref<128x128x3072xf32, #tpu.memory_space<hbm>> -> memref<1x4x3072xf32, #tpu.memory_space<hbm>>
      %dma_wait3A_169 = tpu.memref_squeeze %dma_wait3A_168 : memref<1x4x3072xf32, #tpu.memory_space<hbm>> -> memref<4x3072xf32, #tpu.memory_space<hbm>>
      %dma_wait3A_170 = arith.constant 0 : i32
      %dma_wait3A_171 = tpu.memref_slice %arg4[%add3A_160, %mul3A_2, %dma_wait3A_170] : memref<128x128x3072xf32, #tpu.memory_space<hbm>> -> memref<1x4x3072xf32, #tpu.memory_space<hbm>>
      %dma_wait3A_172 = tpu.memref_squeeze %dma_wait3A_171 : memref<1x4x3072xf32, #tpu.memory_space<hbm>> -> memref<4x3072xf32, #tpu.memory_space<hbm>>
      %dma_wait3A_173 = arith.constant 0 : i32
      %dma_wait3A_174 = arith.constant 0 : i32
      %dma_wait3A_175 = tpu.memref_slice %arg6[%squeeze3A_162, %dma_wait3A_173, %dma_wait3A_174] : memref<6x4x3072xf32, #tpu.memory_space<vmem>> -> memref<1x4x3072xf32, #tpu.memory_space<vmem>>
      %dma_wait3A_176 = tpu.memref_squeeze %dma_wait3A_175 : memref<1x4x3072xf32, #tpu.memory_space<vmem>> -> memref<4x3072xf32, #tpu.memory_space<vmem>>
      tpu.wait_dma2 semaphore(%arg8 : memref<!tpu.dma_semaphore, #tpu.memory_space<semaphore_mem>>) src(%dma_wait3A_176 : memref<4x3072xf32, #tpu.memory_space<vmem>>) dst(%dma_wait3A_172 : memref<4x3072xf32, #tpu.memory_space<hbm>>)
      %mul3A_177 = arith.constant 16 : i32
      %mul3A_178 = arith.muli %scan3A_114, %mul3A_177 : i32
      %add3A_179 = arith.constant 3 : i32
      %add3A_180 = arith.addi %mul3A_178, %add3A_179 : i32
      %slice3A_181 = vector.extract_strided_slice %get3A_118 {offsets = [3], sizes = [1], strides = [1]} : vector<16xi32> to vector<1xi32>
      %squeeze3A_182 = vector.extract %slice3A_181[0] : i32 from vector<1xi32>
      %dma_wait3A_183 = arith.constant 0 : i32
      %dma_wait3A_184 = arith.constant 0 : i32
      %dma_wait3A_185 = tpu.memref_slice %arg6[%squeeze3A_182, %dma_wait3A_183, %dma_wait3A_184] : memref<6x4x3072xf32, #tpu.memory_space<vmem>> -> memref<1x4x3072xf32, #tpu.memory_space<vmem>>
      %dma_wait3A_186 = tpu.memref_squeeze %dma_wait3A_185 : memref<1x4x3072xf32, #tpu.memory_space<vmem>> -> memref<4x3072xf32, #tpu.memory_space<vmem>>
      %dma_wait3A_187 = arith.constant 0 : i32
      %dma_wait3A_188 = tpu.memref_slice %arg4[%add3A_180, %mul3A_2, %dma_wait3A_187] : memref<128x128x3072xf32, #tpu.memory_space<hbm>> -> memref<1x4x3072xf32, #tpu.memory_space<hbm>>
      %dma_wait3A_189 = tpu.memref_squeeze %dma_wait3A_188 : memref<1x4x3072xf32, #tpu.memory_space<hbm>> -> memref<4x3072xf32, #tpu.memory_space<hbm>>
      %dma_wait3A_190 = arith.constant 0 : i32
      %dma_wait3A_191 = tpu.memref_slice %arg4[%add3A_180, %mul3A_2, %dma_wait3A_190] : memref<128x128x3072xf32, #tpu.memory_space<hbm>> -> memref<1x4x3072xf32, #tpu.memory_space<hbm>>
      %dma_wait3A_192 = tpu.memref_squeeze %dma_wait3A_191 : memref<1x4x3072xf32, #tpu.memory_space<hbm>> -> memref<4x3072xf32, #tpu.memory_space<hbm>>
      %dma_wait3A_193 = arith.constant 0 : i32
      %dma_wait3A_194 = arith.constant 0 : i32
      %dma_wait3A_195 = tpu.memref_slice %arg6[%squeeze3A_182, %dma_wait3A_193, %dma_wait3A_194] : memref<6x4x3072xf32, #tpu.memory_space<vmem>> -> memref<1x4x3072xf32, #tpu.memory_space<vmem>>
      %dma_wait3A_196 = tpu.memref_squeeze %dma_wait3A_195 : memref<1x4x3072xf32, #tpu.memory_space<vmem>> -> memref<4x3072xf32, #tpu.memory_space<vmem>>
      tpu.wait_dma2 semaphore(%arg8 : memref<!tpu.dma_semaphore, #tpu.memory_space<semaphore_mem>>) src(%dma_wait3A_196 : memref<4x3072xf32, #tpu.memory_space<vmem>>) dst(%dma_wait3A_192 : memref<4x3072xf32, #tpu.memory_space<hbm>>)
      %mul3A_197 = arith.constant 16 : i32
      %mul3A_198 = arith.muli %scan3A_114, %mul3A_197 : i32
      %add3A_199 = arith.constant 4 : i32
      %add3A_200 = arith.addi %mul3A_198, %add3A_199 : i32
      %slice3A_201 = vector.extract_strided_slice %get3A_118 {offsets = [4], sizes = [1], strides = [1]} : vector<16xi32> to vector<1xi32>
      %squeeze3A_202 = vector.extract %slice3A_201[0] : i32 from vector<1xi32>
      %dma_wait3A_203 = arith.constant 0 : i32
      %dma_wait3A_204 = arith.constant 0 : i32
      %dma_wait3A_205 = tpu.memref_slice %arg6[%squeeze3A_202, %dma_wait3A_203, %dma_wait3A_204] : memref<6x4x3072xf32, #tpu.memory_space<vmem>> -> memref<1x4x3072xf32, #tpu.memory_space<vmem>>
      %dma_wait3A_206 = tpu.memref_squeeze %dma_wait3A_205 : memref<1x4x3072xf32, #tpu.memory_space<vmem>> -> memref<4x3072xf32, #tpu.memory_space<vmem>>
      %dma_wait3A_207 = arith.constant 0 : i32
      %dma_wait3A_208 = tpu.memref_slice %arg4[%add3A_200, %mul3A_2, %dma_wait3A_207] : memref<128x128x3072xf32, #tpu.memory_space<hbm>> -> memref<1x4x3072xf32, #tpu.memory_space<hbm>>
      %dma_wait3A_209 = tpu.memref_squeeze %dma_wait3A_208 : memref<1x4x3072xf32, #tpu.memory_space<hbm>> -> memref<4x3072xf32, #tpu.memory_space<hbm>>
      %dma_wait3A_210 = arith.constant 0 : i32
      %dma_wait3A_211 = tpu.memref_slice %arg4[%add3A_200, %mul3A_2, %dma_wait3A_210] : memref<128x128x3072xf32, #tpu.memory_space<hbm>> -> memref<1x4x3072xf32, #tpu.memory_space<hbm>>
      %dma_wait3A_212 = tpu.memref_squeeze %dma_wait3A_211 : memref<1x4x3072xf32, #tpu.memory_space<hbm>> -> memref<4x3072xf32, #tpu.memory_space<hbm>>
      %dma_wait3A_213 = arith.constant 0 : i32
      %dma_wait3A_214 = arith.constant 0 : i32
      %dma_wait3A_215 = tpu.memref_slice %arg6[%squeeze3A_202, %dma_wait3A_213, %dma_wait3A_214] : memref<6x4x3072xf32, #tpu.memory_space<vmem>> -> memref<1x4x3072xf32, #tpu.memory_space<vmem>>
      %dma_wait3A_216 = tpu.memref_squeeze %dma_wait3A_215 : memref<1x4x3072xf32, #tpu.memory_space<vmem>> -> memref<4x3072xf32, #tpu.memory_space<vmem>>
      tpu.wait_dma2 semaphore(%arg8 : memref<!tpu.dma_semaphore, #tpu.memory_space<semaphore_mem>>) src(%dma_wait3A_216 : memref<4x3072xf32, #tpu.memory_space<vmem>>) dst(%dma_wait3A_212 : memref<4x3072xf32, #tpu.memory_space<hbm>>)
      %mul3A_217 = arith.constant 16 : i32
      %mul3A_218 = arith.muli %scan3A_114, %mul3A_217 : i32
      %add3A_219 = arith.constant 5 : i32
      %add3A_220 = arith.addi %mul3A_218, %add3A_219 : i32
      %slice3A_221 = vector.extract_strided_slice %get3A_118 {offsets = [5], sizes = [1], strides = [1]} : vector<16xi32> to vector<1xi32>
      %squeeze3A_222 = vector.extract %slice3A_221[0] : i32 from vector<1xi32>
      %dma_wait3A_223 = arith.constant 0 : i32
      %dma_wait3A_224 = arith.constant 0 : i32
      %dma_wait3A_225 = tpu.memref_slice %arg6[%squeeze3A_222, %dma_wait3A_223, %dma_wait3A_224] : memref<6x4x3072xf32, #tpu.memory_space<vmem>> -> memref<1x4x3072xf32, #tpu.memory_space<vmem>>
      %dma_wait3A_226 = tpu.memref_squeeze %dma_wait3A_225 : memref<1x4x3072xf32, #tpu.memory_space<vmem>> -> memref<4x3072xf32, #tpu.memory_space<vmem>>
      %dma_wait3A_227 = arith.constant 0 : i32
      %dma_wait3A_228 = tpu.memref_slice %arg4[%add3A_220, %mul3A_2, %dma_wait3A_227] : memref<128x128x3072xf32, #tpu.memory_space<hbm>> -> memref<1x4x3072xf32, #tpu.memory_space<hbm>>
      %dma_wait3A_229 = tpu.memref_squeeze %dma_wait3A_228 : memref<1x4x3072xf32, #tpu.memory_space<hbm>> -> memref<4x3072xf32, #tpu.memory_space<hbm>>
      %dma_wait3A_230 = arith.constant 0 : i32
      %dma_wait3A_231 = tpu.memref_slice %arg4[%add3A_220, %mul3A_2, %dma_wait3A_230] : memref<128x128x3072xf32, #tpu.memory_space<hbm>> -> memref<1x4x3072xf32, #tpu.memory_space<hbm>>
      %dma_wait3A_232 = tpu.memref_squeeze %dma_wait3A_231 : memref<1x4x3072xf32, #tpu.memory_space<hbm>> -> memref<4x3072xf32, #tpu.memory_space<hbm>>
      %dma_wait3A_233 = arith.constant 0 : i32
      %dma_wait3A_234 = arith.constant 0 : i32
      %dma_wait3A_235 = tpu.memref_slice %arg6[%squeeze3A_222, %dma_wait3A_233, %dma_wait3A_234] : memref<6x4x3072xf32, #tpu.memory_space<vmem>> -> memref<1x4x3072xf32, #tpu.memory_space<vmem>>
      %dma_wait3A_236 = tpu.memref_squeeze %dma_wait3A_235 : memref<1x4x3072xf32, #tpu.memory_space<vmem>> -> memref<4x3072xf32, #tpu.memory_space<vmem>>
      tpu.wait_dma2 semaphore(%arg8 : memref<!tpu.dma_semaphore, #tpu.memory_space<semaphore_mem>>) src(%dma_wait3A_236 : memref<4x3072xf32, #tpu.memory_space<vmem>>) dst(%dma_wait3A_232 : memref<4x3072xf32, #tpu.memory_space<hbm>>)
      %mul3A_237 = arith.constant 16 : i32
      %mul3A_238 = arith.muli %scan3A_114, %mul3A_237 : i32
      %add3A_239 = arith.constant 6 : i32
      %add3A_240 = arith.addi %mul3A_238, %add3A_239 : i32
      %slice3A_241 = vector.extract_strided_slice %get3A_118 {offsets = [6], sizes = [1], strides = [1]} : vector<16xi32> to vector<1xi32>
      %squeeze3A_242 = vector.extract %slice3A_241[0] : i32 from vector<1xi32>
      %dma_wait3A_243 = arith.constant 0 : i32
      %dma_wait3A_244 = arith.constant 0 : i32
      %dma_wait3A_245 = tpu.memref_slice %arg6[%squeeze3A_242, %dma_wait3A_243, %dma_wait3A_244] : memref<6x4x3072xf32, #tpu.memory_space<vmem>> -> memref<1x4x3072xf32, #tpu.memory_space<vmem>>
      %dma_wait3A_246 = tpu.memref_squeeze %dma_wait3A_245 : memref<1x4x3072xf32, #tpu.memory_space<vmem>> -> memref<4x3072xf32, #tpu.memory_space<vmem>>
      %dma_wait3A_247 = arith.constant 0 : i32
      %dma_wait3A_248 = tpu.memref_slice %arg4[%add3A_240, %mul3A_2, %dma_wait3A_247] : memref<128x128x3072xf32, #tpu.memory_space<hbm>> -> memref<1x4x3072xf32, #tpu.memory_space<hbm>>
      %dma_wait3A_249 = tpu.memref_squeeze %dma_wait3A_248 : memref<1x4x3072xf32, #tpu.memory_space<hbm>> -> memref<4x3072xf32, #tpu.memory_space<hbm>>
      %dma_wait3A_250 = arith.constant 0 : i32
      %dma_wait3A_251 = tpu.memref_slice %arg4[%add3A_240, %mul3A_2, %dma_wait3A_250] : memref<128x128x3072xf32, #tpu.memory_space<hbm>> -> memref<1x4x3072xf32, #tpu.memory_space<hbm>>
      %dma_wait3A_252 = tpu.memref_squeeze %dma_wait3A_251 : memref<1x4x3072xf32, #tpu.memory_space<hbm>> -> memref<4x3072xf32, #tpu.memory_space<hbm>>
      %dma_wait3A_253 = arith.constant 0 : i32
      %dma_wait3A_254 = arith.constant 0 : i32
      %dma_wait3A_255 = tpu.memref_slice %arg6[%squeeze3A_242, %dma_wait3A_253, %dma_wait3A_254] : memref<6x4x3072xf32, #tpu.memory_space<vmem>> -> memref<1x4x3072xf32, #tpu.memory_space<vmem>>
      %dma_wait3A_256 = tpu.memref_squeeze %dma_wait3A_255 : memref<1x4x3072xf32, #tpu.memory_space<vmem>> -> memref<4x3072xf32, #tpu.memory_space<vmem>>
      tpu.wait_dma2 semaphore(%arg8 : memref<!tpu.dma_semaphore, #tpu.memory_space<semaphore_mem>>) src(%dma_wait3A_256 : memref<4x3072xf32, #tpu.memory_space<vmem>>) dst(%dma_wait3A_252 : memref<4x3072xf32, #tpu.memory_space<hbm>>)
      %mul3A_257 = arith.constant 16 : i32
      %mul3A_258 = arith.muli %scan3A_114, %mul3A_257 : i32
      %add3A_259 = arith.constant 7 : i32
      %add3A_260 = arith.addi %mul3A_258, %add3A_259 : i32
      %slice3A_261 = vector.extract_strided_slice %get3A_118 {offsets = [7], sizes = [1], strides = [1]} : vector<16xi32> to vector<1xi32>
      %squeeze3A_262 = vector.extract %slice3A_261[0] : i32 from vector<1xi32>
      %dma_wait3A_263 = arith.constant 0 : i32
      %dma_wait3A_264 = arith.constant 0 : i32
      %dma_wait3A_265 = tpu.memref_slice %arg6[%squeeze3A_262, %dma_wait3A_263, %dma_wait3A_264] : memref<6x4x3072xf32, #tpu.memory_space<vmem>> -> memref<1x4x3072xf32, #tpu.memory_space<vmem>>
      %dma_wait3A_266 = tpu.memref_squeeze %dma_wait3A_265 : memref<1x4x3072xf32, #tpu.memory_space<vmem>> -> memref<4x3072xf32, #tpu.memory_space<vmem>>
      %dma_wait3A_267 = arith.constant 0 : i32
      %dma_wait3A_268 = tpu.memref_slice %arg4[%add3A_260, %mul3A_2, %dma_wait3A_267] : memref<128x128x3072xf32, #tpu.memory_space<hbm>> -> memref<1x4x3072xf32, #tpu.memory_space<hbm>>
      %dma_wait3A_269 = tpu.memref_squeeze %dma_wait3A_268 : memref<1x4x3072xf32, #tpu.memory_space<hbm>> -> memref<4x3072xf32, #tpu.memory_space<hbm>>
      %dma_wait3A_270 = arith.constant 0 : i32
      %dma_wait3A_271 = tpu.memref_slice %arg4[%add3A_260, %mul3A_2, %dma_wait3A_270] : memref<128x128x3072xf32, #tpu.memory_space<hbm>> -> memref<1x4x3072xf32, #tpu.memory_space<hbm>>
      %dma_wait3A_272 = tpu.memref_squeeze %dma_wait3A_271 : memref<1x4x3072xf32, #tpu.memory_space<hbm>> -> memref<4x3072xf32, #tpu.memory_space<hbm>>
      %dma_wait3A_273 = arith.constant 0 : i32
      %dma_wait3A_274 = arith.constant 0 : i32
      %dma_wait3A_275 = tpu.memref_slice %arg6[%squeeze3A_262, %dma_wait3A_273, %dma_wait3A_274] : memref<6x4x3072xf32, #tpu.memory_space<vmem>> -> memref<1x4x3072xf32, #tpu.memory_space<vmem>>
      %dma_wait3A_276 = tpu.memref_squeeze %dma_wait3A_275 : memref<1x4x3072xf32, #tpu.memory_space<vmem>> -> memref<4x3072xf32, #tpu.memory_space<vmem>>
      tpu.wait_dma2 semaphore(%arg8 : memref<!tpu.dma_semaphore, #tpu.memory_space<semaphore_mem>>) src(%dma_wait3A_276 : memref<4x3072xf32, #tpu.memory_space<vmem>>) dst(%dma_wait3A_272 : memref<4x3072xf32, #tpu.memory_space<hbm>>)
      %mul3A_277 = arith.constant 16 : i32
      %mul3A_278 = arith.muli %scan3A_114, %mul3A_277 : i32
      %add3A_279 = arith.constant 8 : i32
      %add3A_280 = arith.addi %mul3A_278, %add3A_279 : i32
      %slice3A_281 = vector.extract_strided_slice %get3A_118 {offsets = [8], sizes = [1], strides = [1]} : vector<16xi32> to vector<1xi32>
      %squeeze3A_282 = vector.extract %slice3A_281[0] : i32 from vector<1xi32>
      %dma_wait3A_283 = arith.constant 0 : i32
      %dma_wait3A_284 = arith.constant 0 : i32
      %dma_wait3A_285 = tpu.memref_slice %arg6[%squeeze3A_282, %dma_wait3A_283, %dma_wait3A_284] : memref<6x4x3072xf32, #tpu.memory_space<vmem>> -> memref<1x4x3072xf32, #tpu.memory_space<vmem>>
      %dma_wait3A_286 = tpu.memref_squeeze %dma_wait3A_285 : memref<1x4x3072xf32, #tpu.memory_space<vmem>> -> memref<4x3072xf32, #tpu.memory_space<vmem>>
      %dma_wait3A_287 = arith.constant 0 : i32
      %dma_wait3A_288 = tpu.memref_slice %arg4[%add3A_280, %mul3A_2, %dma_wait3A_287] : memref<128x128x3072xf32, #tpu.memory_space<hbm>> -> memref<1x4x3072xf32, #tpu.memory_space<hbm>>
      %dma_wait3A_289 = tpu.memref_squeeze %dma_wait3A_288 : memref<1x4x3072xf32, #tpu.memory_space<hbm>> -> memref<4x3072xf32, #tpu.memory_space<hbm>>
      %dma_wait3A_290 = arith.constant 0 : i32
      %dma_wait3A_291 = tpu.memref_slice %arg4[%add3A_280, %mul3A_2, %dma_wait3A_290] : memref<128x128x3072xf32, #tpu.memory_space<hbm>> -> memref<1x4x3072xf32, #tpu.memory_space<hbm>>
      %dma_wait3A_292 = tpu.memref_squeeze %dma_wait3A_291 : memref<1x4x3072xf32, #tpu.memory_space<hbm>> -> memref<4x3072xf32, #tpu.memory_space<hbm>>
      %dma_wait3A_293 = arith.constant 0 : i32
      %dma_wait3A_294 = arith.constant 0 : i32
      %dma_wait3A_295 = tpu.memref_slice %arg6[%squeeze3A_282, %dma_wait3A_293, %dma_wait3A_294] : memref<6x4x3072xf32, #tpu.memory_space<vmem>> -> memref<1x4x3072xf32, #tpu.memory_space<vmem>>
      %dma_wait3A_296 = tpu.memref_squeeze %dma_wait3A_295 : memref<1x4x3072xf32, #tpu.memory_space<vmem>> -> memref<4x3072xf32, #tpu.memory_space<vmem>>
      tpu.wait_dma2 semaphore(%arg8 : memref<!tpu.dma_semaphore, #tpu.memory_space<semaphore_mem>>) src(%dma_wait3A_296 : memref<4x3072xf32, #tpu.memory_space<vmem>>) dst(%dma_wait3A_292 : memref<4x3072xf32, #tpu.memory_space<hbm>>)
      %mul3A_297 = arith.constant 16 : i32
      %mul3A_298 = arith.muli %scan3A_114, %mul3A_297 : i32
      %add3A_299 = arith.constant 9 : i32
      %add3A_300 = arith.addi %mul3A_298, %add3A_299 : i32
      %slice3A_301 = vector.extract_strided_slice %get3A_118 {offsets = [9], sizes = [1], strides = [1]} : vector<16xi32> to vector<1xi32>
      %squeeze3A_302 = vector.extract %slice3A_301[0] : i32 from vector<1xi32>
      %dma_wait3A_303 = arith.constant 0 : i32
      %dma_wait3A_304 = arith.constant 0 : i32
      %dma_wait3A_305 = tpu.memref_slice %arg6[%squeeze3A_302, %dma_wait3A_303, %dma_wait3A_304] : memref<6x4x3072xf32, #tpu.memory_space<vmem>> -> memref<1x4x3072xf32, #tpu.memory_space<vmem>>
      %dma_wait3A_306 = tpu.memref_squeeze %dma_wait3A_305 : memref<1x4x3072xf32, #tpu.memory_space<vmem>> -> memref<4x3072xf32, #tpu.memory_space<vmem>>
      %dma_wait3A_307 = arith.constant 0 : i32
      %dma_wait3A_308 = tpu.memref_slice %arg4[%add3A_300, %mul3A_2, %dma_wait3A_307] : memref<128x128x3072xf32, #tpu.memory_space<hbm>> -> memref<1x4x3072xf32, #tpu.memory_space<hbm>>
      %dma_wait3A_309 = tpu.memref_squeeze %dma_wait3A_308 : memref<1x4x3072xf32, #tpu.memory_space<hbm>> -> memref<4x3072xf32, #tpu.memory_space<hbm>>
      %dma_wait3A_310 = arith.constant 0 : i32
      %dma_wait3A_311 = tpu.memref_slice %arg4[%add3A_300, %mul3A_2, %dma_wait3A_310] : memref<128x128x3072xf32, #tpu.memory_space<hbm>> -> memref<1x4x3072xf32, #tpu.memory_space<hbm>>
      %dma_wait3A_312 = tpu.memref_squeeze %dma_wait3A_311 : memref<1x4x3072xf32, #tpu.memory_space<hbm>> -> memref<4x3072xf32, #tpu.memory_space<hbm>>
      %dma_wait3A_313 = arith.constant 0 : i32
      %dma_wait3A_314 = arith.constant 0 : i32
      %dma_wait3A_315 = tpu.memref_slice %arg6[%squeeze3A_302, %dma_wait3A_313, %dma_wait3A_314] : memref<6x4x3072xf32, #tpu.memory_space<vmem>> -> memref<1x4x3072xf32, #tpu.memory_space<vmem>>
      %dma_wait3A_316 = tpu.memref_squeeze %dma_wait3A_315 : memref<1x4x3072xf32, #tpu.memory_space<vmem>> -> memref<4x3072xf32, #tpu.memory_space<vmem>>
      tpu.wait_dma2 semaphore(%arg8 : memref<!tpu.dma_semaphore, #tpu.memory_space<semaphore_mem>>) src(%dma_wait3A_316 : memref<4x3072xf32, #tpu.memory_space<vmem>>) dst(%dma_wait3A_312 : memref<4x3072xf32, #tpu.memory_space<hbm>>)
      %mul3A_317 = arith.constant 16 : i32
      %mul3A_318 = arith.muli %scan3A_114, %mul3A_317 : i32
      %add3A_319 = arith.constant 10 : i32
      %add3A_320 = arith.addi %mul3A_318, %add3A_319 : i32
      %slice3A_321 = vector.extract_strided_slice %get3A_118 {offsets = [10], sizes = [1], strides = [1]} : vector<16xi32> to vector<1xi32>
      %squeeze3A_322 = vector.extract %slice3A_321[0] : i32 from vector<1xi32>
      %dma_wait3A_323 = arith.constant 0 : i32
      %dma_wait3A_324 = arith.constant 0 : i32
      %dma_wait3A_325 = tpu.memref_slice %arg6[%squeeze3A_322, %dma_wait3A_323, %dma_wait3A_324] : memref<6x4x3072xf32, #tpu.memory_space<vmem>> -> memref<1x4x3072xf32, #tpu.memory_space<vmem>>
      %dma_wait3A_326 = tpu.memref_squeeze %dma_wait3A_325 : memref<1x4x3072xf32, #tpu.memory_space<vmem>> -> memref<4x3072xf32, #tpu.memory_space<vmem>>
      %dma_wait3A_327 = arith.constant 0 : i32
      %dma_wait3A_328 = tpu.memref_slice %arg4[%add3A_320, %mul3A_2, %dma_wait3A_327] : memref<128x128x3072xf32, #tpu.memory_space<hbm>> -> memref<1x4x3072xf32, #tpu.memory_space<hbm>>
      %dma_wait3A_329 = tpu.memref_squeeze %dma_wait3A_328 : memref<1x4x3072xf32, #tpu.memory_space<hbm>> -> memref<4x3072xf32, #tpu.memory_space<hbm>>
      %dma_wait3A_330 = arith.constant 0 : i32
      %dma_wait3A_331 = tpu.memref_slice %arg4[%add3A_320, %mul3A_2, %dma_wait3A_330] : memref<128x128x3072xf32, #tpu.memory_space<hbm>> -> memref<1x4x3072xf32, #tpu.memory_space<hbm>>
      %dma_wait3A_332 = tpu.memref_squeeze %dma_wait3A_331 : memref<1x4x3072xf32, #tpu.memory_space<hbm>> -> memref<4x3072xf32, #tpu.memory_space<hbm>>
      %dma_wait3A_333 = arith.constant 0 : i32
      %dma_wait3A_334 = arith.constant 0 : i32
      %dma_wait3A_335 = tpu.memref_slice %arg6[%squeeze3A_322, %dma_wait3A_333, %dma_wait3A_334] : memref<6x4x3072xf32, #tpu.memory_space<vmem>> -> memref<1x4x3072xf32, #tpu.memory_space<vmem>>
      %dma_wait3A_336 = tpu.memref_squeeze %dma_wait3A_335 : memref<1x4x3072xf32, #tpu.memory_space<vmem>> -> memref<4x3072xf32, #tpu.memory_space<vmem>>
      tpu.wait_dma2 semaphore(%arg8 : memref<!tpu.dma_semaphore, #tpu.memory_space<semaphore_mem>>) src(%dma_wait3A_336 : memref<4x3072xf32, #tpu.memory_space<vmem>>) dst(%dma_wait3A_332 : memref<4x3072xf32, #tpu.memory_space<hbm>>)
      %mul3A_337 = arith.constant 16 : i32
      %mul3A_338 = arith.muli %scan3A_114, %mul3A_337 : i32
      %add3A_339 = arith.constant 11 : i32
      %add3A_340 = arith.addi %mul3A_338, %add3A_339 : i32
      %slice3A_341 = vector.extract_strided_slice %get3A_118 {offsets = [11], sizes = [1], strides = [1]} : vector<16xi32> to vector<1xi32>
      %squeeze3A_342 = vector.extract %slice3A_341[0] : i32 from vector<1xi32>
      %dma_wait3A_343 = arith.constant 0 : i32
      %dma_wait3A_344 = arith.constant 0 : i32
      %dma_wait3A_345 = tpu.memref_slice %arg6[%squeeze3A_342, %dma_wait3A_343, %dma_wait3A_344] : memref<6x4x3072xf32, #tpu.memory_space<vmem>> -> memref<1x4x3072xf32, #tpu.memory_space<vmem>>
      %dma_wait3A_346 = tpu.memref_squeeze %dma_wait3A_345 : memref<1x4x3072xf32, #tpu.memory_space<vmem>> -> memref<4x3072xf32, #tpu.memory_space<vmem>>
      %dma_wait3A_347 = arith.constant 0 : i32
      %dma_wait3A_348 = tpu.memref_slice %arg4[%add3A_340, %mul3A_2, %dma_wait3A_347] : memref<128x128x3072xf32, #tpu.memory_space<hbm>> -> memref<1x4x3072xf32, #tpu.memory_space<hbm>>
      %dma_wait3A_349 = tpu.memref_squeeze %dma_wait3A_348 : memref<1x4x3072xf32, #tpu.memory_space<hbm>> -> memref<4x3072xf32, #tpu.memory_space<hbm>>
      %dma_wait3A_350 = arith.constant 0 : i32
      %dma_wait3A_351 = tpu.memref_slice %arg4[%add3A_340, %mul3A_2, %dma_wait3A_350] : memref<128x128x3072xf32, #tpu.memory_space<hbm>> -> memref<1x4x3072xf32, #tpu.memory_space<hbm>>
      %dma_wait3A_352 = tpu.memref_squeeze %dma_wait3A_351 : memref<1x4x3072xf32, #tpu.memory_space<hbm>> -> memref<4x3072xf32, #tpu.memory_space<hbm>>
      %dma_wait3A_353 = arith.constant 0 : i32
      %dma_wait3A_354 = arith.constant 0 : i32
      %dma_wait3A_355 = tpu.memref_slice %arg6[%squeeze3A_342, %dma_wait3A_353, %dma_wait3A_354] : memref<6x4x3072xf32, #tpu.memory_space<vmem>> -> memref<1x4x3072xf32, #tpu.memory_space<vmem>>
      %dma_wait3A_356 = tpu.memref_squeeze %dma_wait3A_355 : memref<1x4x3072xf32, #tpu.memory_space<vmem>> -> memref<4x3072xf32, #tpu.memory_space<vmem>>
      tpu.wait_dma2 semaphore(%arg8 : memref<!tpu.dma_semaphore, #tpu.memory_space<semaphore_mem>>) src(%dma_wait3A_356 : memref<4x3072xf32, #tpu.memory_space<vmem>>) dst(%dma_wait3A_352 : memref<4x3072xf32, #tpu.memory_space<hbm>>)
      %mul3A_357 = arith.constant 16 : i32
      %mul3A_358 = arith.muli %scan3A_114, %mul3A_357 : i32
      %add3A_359 = arith.constant 12 : i32
      %add3A_360 = arith.addi %mul3A_358, %add3A_359 : i32
      %slice3A_361 = vector.extract_strided_slice %get3A_118 {offsets = [12], sizes = [1], strides = [1]} : vector<16xi32> to vector<1xi32>
      %squeeze3A_362 = vector.extract %slice3A_361[0] : i32 from vector<1xi32>
      %dma_wait3A_363 = arith.constant 0 : i32
      %dma_wait3A_364 = arith.constant 0 : i32
      %dma_wait3A_365 = tpu.memref_slice %arg6[%squeeze3A_362, %dma_wait3A_363, %dma_wait3A_364] : memref<6x4x3072xf32, #tpu.memory_space<vmem>> -> memref<1x4x3072xf32, #tpu.memory_space<vmem>>
      %dma_wait3A_366 = tpu.memref_squeeze %dma_wait3A_365 : memref<1x4x3072xf32, #tpu.memory_space<vmem>> -> memref<4x3072xf32, #tpu.memory_space<vmem>>
      %dma_wait3A_367 = arith.constant 0 : i32
      %dma_wait3A_368 = tpu.memref_slice %arg4[%add3A_360, %mul3A_2, %dma_wait3A_367] : memref<128x128x3072xf32, #tpu.memory_space<hbm>> -> memref<1x4x3072xf32, #tpu.memory_space<hbm>>
      %dma_wait3A_369 = tpu.memref_squeeze %dma_wait3A_368 : memref<1x4x3072xf32, #tpu.memory_space<hbm>> -> memref<4x3072xf32, #tpu.memory_space<hbm>>
      %dma_wait3A_370 = arith.constant 0 : i32
      %dma_wait3A_371 = tpu.memref_slice %arg4[%add3A_360, %mul3A_2, %dma_wait3A_370] : memref<128x128x3072xf32, #tpu.memory_space<hbm>> -> memref<1x4x3072xf32, #tpu.memory_space<hbm>>
      %dma_wait3A_372 = tpu.memref_squeeze %dma_wait3A_371 : memref<1x4x3072xf32, #tpu.memory_space<hbm>> -> memref<4x3072xf32, #tpu.memory_space<hbm>>
      %dma_wait3A_373 = arith.constant 0 : i32
      %dma_wait3A_374 = arith.constant 0 : i32
      %dma_wait3A_375 = tpu.memref_slice %arg6[%squeeze3A_362, %dma_wait3A_373, %dma_wait3A_374] : memref<6x4x3072xf32, #tpu.memory_space<vmem>> -> memref<1x4x3072xf32, #tpu.memory_space<vmem>>
      %dma_wait3A_376 = tpu.memref_squeeze %dma_wait3A_375 : memref<1x4x3072xf32, #tpu.memory_space<vmem>> -> memref<4x3072xf32, #tpu.memory_space<vmem>>
      tpu.wait_dma2 semaphore(%arg8 : memref<!tpu.dma_semaphore, #tpu.memory_space<semaphore_mem>>) src(%dma_wait3A_376 : memref<4x3072xf32, #tpu.memory_space<vmem>>) dst(%dma_wait3A_372 : memref<4x3072xf32, #tpu.memory_space<hbm>>)
      %mul3A_377 = arith.constant 16 : i32
      %mul3A_378 = arith.muli %scan3A_114, %mul3A_377 : i32
      %add3A_379 = arith.constant 13 : i32
      %add3A_380 = arith.addi %mul3A_378, %add3A_379 : i32
      %slice3A_381 = vector.extract_strided_slice %get3A_118 {offsets = [13], sizes = [1], strides = [1]} : vector<16xi32> to vector<1xi32>
      %squeeze3A_382 = vector.extract %slice3A_381[0] : i32 from vector<1xi32>
      %dma_wait3A_383 = arith.constant 0 : i32
      %dma_wait3A_384 = arith.constant 0 : i32
      %dma_wait3A_385 = tpu.memref_slice %arg6[%squeeze3A_382, %dma_wait3A_383, %dma_wait3A_384] : memref<6x4x3072xf32, #tpu.memory_space<vmem>> -> memref<1x4x3072xf32, #tpu.memory_space<vmem>>
      %dma_wait3A_386 = tpu.memref_squeeze %dma_wait3A_385 : memref<1x4x3072xf32, #tpu.memory_space<vmem>> -> memref<4x3072xf32, #tpu.memory_space<vmem>>
      %dma_wait3A_387 = arith.constant 0 : i32
      %dma_wait3A_388 = tpu.memref_slice %arg4[%add3A_380, %mul3A_2, %dma_wait3A_387] : memref<128x128x3072xf32, #tpu.memory_space<hbm>> -> memref<1x4x3072xf32, #tpu.memory_space<hbm>>
      %dma_wait3A_389 = tpu.memref_squeeze %dma_wait3A_388 : memref<1x4x3072xf32, #tpu.memory_space<hbm>> -> memref<4x3072xf32, #tpu.memory_space<hbm>>
      %dma_wait3A_390 = arith.constant 0 : i32
      %dma_wait3A_391 = tpu.memref_slice %arg4[%add3A_380, %mul3A_2, %dma_wait3A_390] : memref<128x128x3072xf32, #tpu.memory_space<hbm>> -> memref<1x4x3072xf32, #tpu.memory_space<hbm>>
      %dma_wait3A_392 = tpu.memref_squeeze %dma_wait3A_391 : memref<1x4x3072xf32, #tpu.memory_space<hbm>> -> memref<4x3072xf32, #tpu.memory_space<hbm>>
      %dma_wait3A_393 = arith.constant 0 : i32
      %dma_wait3A_394 = arith.constant 0 : i32
      %dma_wait3A_395 = tpu.memref_slice %arg6[%squeeze3A_382, %dma_wait3A_393, %dma_wait3A_394] : memref<6x4x3072xf32, #tpu.memory_space<vmem>> -> memref<1x4x3072xf32, #tpu.memory_space<vmem>>
      %dma_wait3A_396 = tpu.memref_squeeze %dma_wait3A_395 : memref<1x4x3072xf32, #tpu.memory_space<vmem>> -> memref<4x3072xf32, #tpu.memory_space<vmem>>
      tpu.wait_dma2 semaphore(%arg8 : memref<!tpu.dma_semaphore, #tpu.memory_space<semaphore_mem>>) src(%dma_wait3A_396 : memref<4x3072xf32, #tpu.memory_space<vmem>>) dst(%dma_wait3A_392 : memref<4x3072xf32, #tpu.memory_space<hbm>>)
      %mul3A_397 = arith.constant 16 : i32
      %mul3A_398 = arith.muli %scan3A_114, %mul3A_397 : i32
      %add3A_399 = arith.constant 14 : i32
      %add3A_400 = arith.addi %mul3A_398, %add3A_399 : i32
      %slice3A_401 = vector.extract_strided_slice %get3A_118 {offsets = [14], sizes = [1], strides = [1]} : vector<16xi32> to vector<1xi32>
      %squeeze3A_402 = vector.extract %slice3A_401[0] : i32 from vector<1xi32>
      %dma_wait3A_403 = arith.constant 0 : i32
      %dma_wait3A_404 = arith.constant 0 : i32
      %dma_wait3A_405 = tpu.memref_slice %arg6[%squeeze3A_402, %dma_wait3A_403, %dma_wait3A_404] : memref<6x4x3072xf32, #tpu.memory_space<vmem>> -> memref<1x4x3072xf32, #tpu.memory_space<vmem>>
      %dma_wait3A_406 = tpu.memref_squeeze %dma_wait3A_405 : memref<1x4x3072xf32, #tpu.memory_space<vmem>> -> memref<4x3072xf32, #tpu.memory_space<vmem>>
      %dma_wait3A_407 = arith.constant 0 : i32
      %dma_wait3A_408 = tpu.memref_slice %arg4[%add3A_400, %mul3A_2, %dma_wait3A_407] : memref<128x128x3072xf32, #tpu.memory_space<hbm>> -> memref<1x4x3072xf32, #tpu.memory_space<hbm>>
      %dma_wait3A_409 = tpu.memref_squeeze %dma_wait3A_408 : memref<1x4x3072xf32, #tpu.memory_space<hbm>> -> memref<4x3072xf32, #tpu.memory_space<hbm>>
      %dma_wait3A_410 = arith.constant 0 : i32
      %dma_wait3A_411 = tpu.memref_slice %arg4[%add3A_400, %mul3A_2, %dma_wait3A_410] : memref<128x128x3072xf32, #tpu.memory_space<hbm>> -> memref<1x4x3072xf32, #tpu.memory_space<hbm>>
      %dma_wait3A_412 = tpu.memref_squeeze %dma_wait3A_411 : memref<1x4x3072xf32, #tpu.memory_space<hbm>> -> memref<4x3072xf32, #tpu.memory_space<hbm>>
      %dma_wait3A_413 = arith.constant 0 : i32
      %dma_wait3A_414 = arith.constant 0 : i32
      %dma_wait3A_415 = tpu.memref_slice %arg6[%squeeze3A_402, %dma_wait3A_413, %dma_wait3A_414] : memref<6x4x3072xf32, #tpu.memory_space<vmem>> -> memref<1x4x3072xf32, #tpu.memory_space<vmem>>
      %dma_wait3A_416 = tpu.memref_squeeze %dma_wait3A_415 : memref<1x4x3072xf32, #tpu.memory_space<vmem>> -> memref<4x3072xf32, #tpu.memory_space<vmem>>
      tpu.wait_dma2 semaphore(%arg8 : memref<!tpu.dma_semaphore, #tpu.memory_space<semaphore_mem>>) src(%dma_wait3A_416 : memref<4x3072xf32, #tpu.memory_space<vmem>>) dst(%dma_wait3A_412 : memref<4x3072xf32, #tpu.memory_space<hbm>>)
      %mul3A_417 = arith.constant 16 : i32
      %mul3A_418 = arith.muli %scan3A_114, %mul3A_417 : i32
      %add3A_419 = arith.constant 15 : i32
      %add3A_420 = arith.addi %mul3A_418, %add3A_419 : i32
      %slice3A_421 = vector.extract_strided_slice %get3A_118 {offsets = [15], sizes = [1], strides = [1]} : vector<16xi32> to vector<1xi32>
      %squeeze3A_422 = vector.extract %slice3A_421[0] : i32 from vector<1xi32>
      %dma_wait3A_423 = arith.constant 0 : i32
      %dma_wait3A_424 = arith.constant 0 : i32
      %dma_wait3A_425 = tpu.memref_slice %arg6[%squeeze3A_422, %dma_wait3A_423, %dma_wait3A_424] : memref<6x4x3072xf32, #tpu.memory_space<vmem>> -> memref<1x4x3072xf32, #tpu.memory_space<vmem>>
      %dma_wait3A_426 = tpu.memref_squeeze %dma_wait3A_425 : memref<1x4x3072xf32, #tpu.memory_space<vmem>> -> memref<4x3072xf32, #tpu.memory_space<vmem>>
      %dma_wait3A_427 = arith.constant 0 : i32
      %dma_wait3A_428 = tpu.memref_slice %arg4[%add3A_420, %mul3A_2, %dma_wait3A_427] : memref<128x128x3072xf32, #tpu.memory_space<hbm>> -> memref<1x4x3072xf32, #tpu.memory_space<hbm>>
      %dma_wait3A_429 = tpu.memref_squeeze %dma_wait3A_428 : memref<1x4x3072xf32, #tpu.memory_space<hbm>> -> memref<4x3072xf32, #tpu.memory_space<hbm>>
      %dma_wait3A_430 = arith.constant 0 : i32
      %dma_wait3A_431 = tpu.memref_slice %arg4[%add3A_420, %mul3A_2, %dma_wait3A_430] : memref<128x128x3072xf32, #tpu.memory_space<hbm>> -> memref<1x4x3072xf32, #tpu.memory_space<hbm>>
      %dma_wait3A_432 = tpu.memref_squeeze %dma_wait3A_431 : memref<1x4x3072xf32, #tpu.memory_space<hbm>> -> memref<4x3072xf32, #tpu.memory_space<hbm>>
      %dma_wait3A_433 = arith.constant 0 : i32
      %dma_wait3A_434 = arith.constant 0 : i32
      %dma_wait3A_435 = tpu.memref_slice %arg6[%squeeze3A_422, %dma_wait3A_433, %dma_wait3A_434] : memref<6x4x3072xf32, #tpu.memory_space<vmem>> -> memref<1x4x3072xf32, #tpu.memory_space<vmem>>
      %dma_wait3A_436 = tpu.memref_squeeze %dma_wait3A_435 : memref<1x4x3072xf32, #tpu.memory_space<vmem>> -> memref<4x3072xf32, #tpu.memory_space<vmem>>
      tpu.wait_dma2 semaphore(%arg8 : memref<!tpu.dma_semaphore, #tpu.memory_space<semaphore_mem>>) src(%dma_wait3A_436 : memref<4x3072xf32, #tpu.memory_space<vmem>>) dst(%dma_wait3A_432 : memref<4x3072xf32, #tpu.memory_space<hbm>>)
    }
    %scan3A_113 = arith.constant 8 : i32
    return
  }
}

</mosaic_0001>

<sc_bundles>
// kernel: kernel.3.cloned.1.call-start
scs
__scs_entry_jumppad:
0x0: {  	(pc) =	sbr.rel $0x88, $3  }
0x1: {  	(tag) =	ssettag $0x0;
	lr =	simm.s32 $0x1  }
0x2: {  	[smem:$0x3F9F] =	sst lr;
	_ =	strace $0xD0000000  }
0x3: {  	_ = 	snop  }
0x4: {  	_ = 	snop  }
0x5: {  	_ = 	snop  }
0x6: {  	_ = 	snop  }
0x7: {  	_ = 	snop  }
__scs_overlays_trampoline_lowered:
0x8: {  	[smem:$0x3FAE] =	sst s0  }
0x9: {  	[smem:$0x3FAF] =	sst s1  }
0xa: {  	[smem:$0x3FB0] =	sst s2  }
0xb: {  	[smem:$0x3FB1] =	sst s3  }
0xc: {  	[smem:$0x3FB2] =	sst s4  }
0xd: {  	[smem:$0x3FB3] =	sst s5  }
0xe: {  	[smem:$0x3FB4] =	sst s6  }
0xf: {  	[smem:$0x3FB5] =	sst s7  }
0x10: {  	[smem:$0x3FB6] =	sst s8  }
0x11: {  	[smem:$0x3FB7] =	sst s9;
	s0 =	simm.s32 @!p0 $0x0  }
0x12: {  	s1 =	sld [smem:$0x3F9D];
	s0 =	simm.s32 @p0 $0x1  }
0x13: {  	[smem:$0x3FB8] =	sst s0;
	s0 =	simm.s32 @!p1 $0x0  }
0x14: {  	s2 =	sld [smem:$0x3F9C];
	s0 =	simm.s32 @p1 $0x1  }
0x15: {  	[smem:$0x3FB9] =	sst s0;
	s0 =	simm.s32 @!p2 $0x0  }
0x16: {  	s3 =	sld [smem:$0x3FDB];
	s0 =	simm.s32 @p2 $0x1  }
0x17: {  	s4 =	simm.s32 $0x1BF5;
	[smem:$0x3FBB] =	sst s0  }
0x18: {  	s0 =	sld [smem:$0x3F9E];
	_ =	swait.ge [sflag:s4], $0x0  }
0x19: {  	s7 =	sld [smem:$0x3F9F]  }
0x1a: {  	s8 =	sadd.s32 $0xFFFFE003, lr  }
0x1b: {  	s9 =	sadd.s32 $0xFFFFFEF7, lr;
	s5 =	simm.s32 $0xFFFFFFFF;
	p2 =	slt.u32 s8, $0xFFFFF086  }
0x1c: {  	p1 =	slt.u32 s9, $0xF7A;
	s5 =	simm.s32 @!p2 $0x0  }
0x1d: {  	s5 =	simm.s32 @p1 $0x1;
	p0 =	seq.s32 s7, s2  }
0x1e: {  	s7 =	smul.u32 @!p0 $0xF7A, s2;
	p2 =	seq.s32 @!p0 s5, $0x0  }
0x1f: {  	s9 =	smul.u32 $0xF7A, s1;
	s8 =	simm.s32 @!p0 $0x1BF5;
	p2 =	por !p2, p0  }
0x20: {  	[sflag:s8] =	ssyncset.s32 @!p0 $0xFFFFF086;
	s6 =	sadd.s32 @!p0 s3, s7;
	s7 =	simm.s32 @!p0 $0x108  }
0x21: {  	s3 =	sadd.s32 s3, s9;
	s6 =	sadd.s32 @!p0 $0x88, s6;
	s7 =	simm.s32 @p2 $0x1082  }
0x22: {  	[simem:s7], [sflag:s8] =	dma.local @!p0 [hbm:s6], $0xF7A  }
0x23: {  	s9 =	sor.u32 $0xD0000000, s2;
	s6 =	simm.s32 $0x108;
	_ =	swait.ge @!p0 [sflag:s8], $0x0  }
0x24: {  	s3 =	sadd.s32 $0x88, s3;
	s6 =	simm.s32 @!p1 $0x1082;
	[sflag:s4] =	ssyncset.s32 $0xFFFFF086  }
0x25: {  	[simem:s6], [sflag:s4] =	dma.local [hbm:s3], $0xF7A  }
0x26: {  	[smem:$0x3F9F] =	sst s1;
	(tag) =	ssettag s2;
	_ =	strace s9  }
0x27: {  	s1 =	sld [smem:$0x3FAF]  }
0x28: {  	s2 =	sld [smem:$0x3FB0]  }
0x29: {  	s4 =	sld [smem:$0x3FB2]  }
0x2a: {  	p0 =	seq.s32 s5, $0x0;
	s5 =	sld [smem:$0x3FB3]  }
0x2b: {  	s6 =	sld [smem:$0x3FB4]  }
0x2c: {  	s7 =	sld [smem:$0x3FB5]  }
0x2d: {  	s3 =	simm.s32 $0x108;
	s8 =	sld [smem:$0x3FB6]  }
0x2e: {  	s3 =	simm.s32 @!p0 $0x1082;
	s9 =	sld [smem:$0x3FB7]  }
0x2f: {  	lr =	sadd.s32 s0, s3;
	s0 =	sld [smem:$0x3FAE]  }
0x30: {  	s3 =	sld [smem:$0x3FB1]  }
0x31: {  	[smem:$0x3FBA] =	sst s10  }
0x32: {  	s10 =	sld [smem:$0x3FB8];
	_ =	sdelay $0x3  }
0x33: {  	p0 =	seq.s32 s10, $0x1;
	s10 =	sld [smem:$0x3FBA];
	_ =	sdelay $0x3  }
0x34: {  	[smem:$0x3FBA] =	sst s10  }
0x35: {  	s10 =	sld [smem:$0x3FB9];
	_ =	sdelay $0x3  }
0x36: {  	p1 =	seq.s32 s10, $0x1;
	s10 =	sld [smem:$0x3FBA];
	_ =	sdelay $0x3  }
0x37: {  	[smem:$0x3FBA] =	sst s10  }
0x38: {  	s10 =	sld [smem:$0x3FBB]  }
0x39: {  	_ = 	snop;
	(pc) =	sbr.ind lr, $3  }
0x3a: {  	_ = 	snop  }
0x3b: {  	_ = 	snop  }
0x3c: {  	p2 =	seq.s32 s10, $0x1;
	s10 =	sld [smem:$0x3FBA]  }
0x3d: {  	_ =	shalt  }
0x3e: {  	_ =	shalt  }
0x3f: {  	_ =	shalt  }
0x40: {  	_ =	shalt  }
0x41: {  	_ =	shalt  }
0x42: {  	_ =	shalt  }
0x43: {  	_ =	shalt  }
0x44: {  	_ =	shalt  }
0x45: {  	_ =	shalt  }
0x46: {  	_ =	shalt  }
0x47: {  	_ =	shalt  }
0x48: {  	_ =	shalt  }
0x49: {  	_ =	shalt  }
0x4a: {  	_ =	shalt  }
0x4b: {  	_ =	shalt  }
0x4c: {  	_ =	shalt  }
0x4d: {  	_ =	shalt  }
0x4e: {  	_ =	shalt  }
0x4f: {  	_ =	shalt  }
0x50: {  	_ =	shalt  }
0x51: {  	_ =	shalt  }
0x52: {  	_ =	shalt  }
0x53: {  	_ =	shalt  }
0x54: {  	_ =	shalt  }
0x55: {  	_ =	shalt  }
0x56: {  	_ =	shalt  }
0x57: {  	_ =	shalt  }
0x58: {  	_ =	shalt  }
0x59: {  	_ =	shalt  }
0x5a: {  	_ =	shalt  }
0x5b: {  	_ =	shalt  }
0x5c: {  	_ =	shalt  }
0x5d: {  	_ =	shalt  }
0x5e: {  	_ =	shalt  }
0x5f: {  	_ =	shalt  }
0x60: {  	_ =	shalt  }
0x61: {  	_ =	shalt  }
0x62: {  	_ =	shalt  }
0x63: {  	_ =	shalt  }
0x64: {  	_ =	shalt  }
0x65: {  	_ =	shalt  }
0x66: {  	_ =	shalt  }
0x67: {  	_ =	shalt  }
0x68: {  	_ =	shalt  }
0x69: {  	_ =	shalt  }
0x6a: {  	_ =	shalt  }
0x6b: {  	_ =	shalt  }
0x6c: {  	_ =	shalt  }
0x6d: {  	_ =	shalt  }
0x6e: {  	_ =	shalt  }
0x6f: {  	_ =	shalt  }
0x70: {  	_ =	shalt  }
0x71: {  	_ =	shalt  }
0x72: {  	_ =	shalt  }
0x73: {  	_ =	shalt  }
0x74: {  	_ =	shalt  }
0x75: {  	_ =	shalt  }
0x76: {  	_ =	shalt  }
0x77: {  	_ =	shalt  }
0x78: {  	_ =	shalt  }
0x79: {  	_ =	shalt  }
0x7a: {  	_ =	shalt  }
0x7b: {  	_ =	shalt  }
0x7c: {  	_ =	shalt  }
0x7d: {  	_ =	shalt  }
0x7e: {  	_ =	shalt  }
0x7f: {  	_ =	shalt  }
0x80: {  	_ =	shalt  }
0x81: {  	_ =	shalt  }
0x82: {  	_ =	shalt  }
0x83: {  	_ =	shalt  }
0x84: {  	_ =	shalt  }
0x85: {  	_ =	shalt  }
0x86: {  	_ =	shalt  }
0x87: {  	_ =	shalt  }
.Lfunc_end0:
.L_simem_size_0:
called_computation_lowered:
.L_overlay_start_0:
0x88: {  	s2 =	sld [smem:$0x3FD9]  }
0x89: {  	s3 =	sld [smem:$0x3FFE];
	_ =	sdelay $0x1  }
0x8a: {  	s1 =	srdreg.scid  }
0x8b: {  	s0 =	sand.u32 $0x1, s1  }
0x8c: {  	s17 =	sshll.u32 s0, $0xA;
	s2 =	sadd.s32 s3, s2  }
0x8d: {  	s2 =	sadd.s32 s2, s17  }
0x8e: {  	[smem:$0x3FC6] =	sst s2  }
0x8f: {  	_ = 	snop  }
0x90: {  	s2 =	sld [smem:$0x3FC9]  }
0x91: {  	s18 =	sld [smem:$0x3FD0];
	(tm) =	ssettm $0x1  }
0x92: {  	s4 =	sld [smem:$0x3FFB];
	_ =	sdelay $0x3  }
0x93: {  	_ =	strace s4  }
0x94: {  	s4 =	sld [smem:$0x3FFC];
	_ =	sdelay $0x3  }
0x95: {  	_ =	strace s4  }
0x96: {  	s4 =	sld [smem:$0x3FFD];
	_ =	sdelay $0x3  }
0x97: {  	_ =	strace s4  }
0x98: {  	_ =	strace $0x8FFFFFFF  }
0x99: {  	s19 =	sld [smem:$0x3FDB];
	_ =	sdelay $0x1  }
0x9a: {  	s5 =	simm.s32 $_scs_section_size  }
0x9b: {  	s6 =	simm.s32 $_size__tile_overlayer_lowered;
	s7 =	simm.s32 $_tile_overlayer_lowered  }
0x9c: {  	s22 =	simm.s32 $0x1BFF;
	s21 =	sshll.u32 s7, $0x1;
	s4 =	sadd.s32 s5, s19  }
0x9d: {  	s8 =	simm.s32 $0x0;
	s20 =	sshll.u32 s6, $0x1;
	s6 =	sadd.s32 s21, s4  }
0x9e: {  	[timem:s8], [sflag:s22] =	dma.local [hbm:s6], s20  }
0x9f: {  	_ =	swait.ge [sflag:s22], s20  }
0xa0: {  	s5 =	ssub.s32 $0x0, s20;
	[sflag:s22] =	ssyncset.done $0x0  }
0xa1: {  	[sflag:s22] =	ssyncadd.s32 s5;
	_ =	sdelay $0x1  }
0xa2: {  	s23 =	simm.s32 $0x1B8B  }
0xa3: {  	_ =	swait.ge [sflag:s23], $0x1  }
0xa4: {  	[sflag:s23] =	ssyncset.done $0x0  }
0xa5: {  	s25 =	simm.s32 $0x1B8E;
	s24 =	sld [smem:$0x3FFE];
	[sflag:s23] =	ssyncadd.s32 $0xFFFFFFFF  }
0xa6: {  	s26 =	simm.s32 $execute0_lowered;
	[smem:$0x3FD2] =	sst s25  }
0xa7: {  	s6 =	sshll.u32 s26, $0x1;
	_ =	strace $0x80000046;
	[dreg:$0x1] =	wrdreg $0xFFFFFFFF  }
0xa8: {  	s28 =	simm.s32 $_size_execute0_lowered;
	s4 =	sadd.s32 s4, s6;
	[dreg:$0x0] =	wrdreg $0x0  }
0xa9: {  	s6 =	sshll.u32 s28, $0x1;
	[dreg:$0x2] =	wrdreg s4  }
0xaa: {  	[dreg:$0x3] =	wrdreg s6  }
0xab: {  	[dreg:$0x4] =	wrdreg $0xC0  }
0xac: {  	_ =	task [dreg:s8], $0x5FFFF  }
0xad: {  	[dreg:$0x1] =	wrdreg $0xFFFFFFFF  }
0xae: {  	[dreg:$0x0] =	wrdreg $0x60  }
0xaf: {  	[dreg:$0x2] =	wrdreg s24  }
0xb0: {  	[dreg:$0x3] =	wrdreg s2  }
0xb1: {  	[dreg:$0x4] =	wrdreg s18  }
0xb2: {  	[dreg:$0x5] =	wrdreg $0x9  }
0xb3: {  	_ =	task.clear_ibuf [dreg:s8], $0x6FFFF;
	_ =	strace $0x90000046  }
0xb4: {  	s29 =	simm.s32 $0x9;
	_ =	strace $0x80000048  }
0xb5: {  	_ =	swait.ge [sflag:s29], $0x1  }
0xb6: {  	[sflag:s29] =	ssyncadd.s32 $0xFFFFFFFF  }
0xb7: {  	_ =	strace $0x90000048  }
0xb8: {  	_ =	sfence  }
0xb9: {  	s30 =	sld [smem:$0x0];
	_ =	sdelay $0x2  }
0xba: {  	s31 =	sshll.u32 s1, $0xD;
	s1 =	sshrl.u32 s1, $0x2  }
0xbb: {  	s3 =	sand.u32 $0x4000, s31;
	s1 =	sadd.s32 s1, s30  }
0xbc: {  	s0 =	sor.u32 s3, s0;
	s1 =	sshll.u32 s1, $0x11  }
0xbd: {  	s0 =	sor.u32 s1, s0  }
0xbe: {  	s0 =	sadd.s32 $0x8F2B, s0  }
0xbf: {  	[sflag:s0] =	ssyncadd.remote.s32 $0x1  }
0xc0: {  	_ =	sfence.sel $0xFFFF  }
0xc1: {  	[dreg:$0x0] =	wrdreg $0xFFFFFFFF;
	(pc) =	sbr.abs _section_cstart, $3  }
0xc2: {  	[dreg:$0x1] =	wrdreg $0xFFFFFFFF  }
0xc3: {  	_ =	task.clear_ibuf [dreg:s8], $0x2FFFF;
	_ =	strace $0x9FFFFFFF  }
0xc4: {  	(tm) =	ssettm $0x7FFFFFFF  }
0xc5: {  	_ =	shalt  }
tec
execute0_lowered:
.L_overlay_start_1:
0x0: {  	(tag) =	ssettag $0x1  }
0x1: {  	s0 =	srdreg.scid  }
0x2: {  	s5 =	stileid.u32;
	s6 =	simm.s32 $0x0;
	s2 =	sand.u32 $0x1, s0  }
0x3: {  	s3 =	sshll.u32 s5, $0xD;
	s4 =	sshll.u32 s2, $0x9;
	s2 =	ssub.s32 $0x2, s2  }
0x4: {  	[smem:$0x7FF] =	sst s6;
	s3 =	sor.u32 s4, s3;
	s6 =	sshrl.u32 s2, $0x1  }
0x5: {  	s1 =	rddreg [dreg:$0x0];
	s3 =	sshrl.u32 s3, $0x3;
	s2 =	ssub.s32 s2, s6  }
0x6: {  	s0 =	rddreg [dreg:$0x2];
	s1 =	sadd.s32 s3, s1;
	s2 =	smax.u32 s2, $0x1  }
0x7: {  	_ =	strace $0x80000047;
	s7 =	sadd.s32 $0x400, s1;
	[dreg:$0x16] =	wrdreg s2  }
0x8: {  	s8 =	sadd.s32 $0x4400, s1;
	[dreg:$0x13] =	wrdreg s7  }
0x9: {  	s9 =	sadd.s32 $0x8400, s1;
	[dreg:$0x14] =	wrdreg s8  }
0xa: {  	s11 =	sadd.s32 $0xC400, s1;
	[dreg:$0x15] =	wrdreg s9  }
0xb: {  	s12 =	sadd.s32 $0x18400, s1;
	[dreg:$0x17] =	wrdreg s11  }
0xc: {  	s13 =	sadd.s32 $0x24400, s1;
	[dreg:$0x18] =	wrdreg s12  }
0xd: {  	s14 =	sadd.s32 $0x30400, s1;
	[dreg:$0x19] =	wrdreg s13  }
0xe: {  	s15 =	sadd.s32 $0x3C400, s1;
	[dreg:$0x1a] =	wrdreg s14  }
0xf: {  	s16 =	sadd.s32 $0x10400, s1;
	[dreg:$0x1b] =	wrdreg s15  }
0x10: {  	s28 =	simm.s32 $0x2;
	s17 =	sadd.s32 $0x1C400, s1;
	[dreg:$0x1c] =	wrdreg s16  }
0x11: {  	s10 =	smul.u32 $0x6000, s5;
	s18 =	sadd.s32 $0x28400, s1;
	[dreg:$0x1d] =	wrdreg s17  }
0x12: {  	s29 =	simm.s32 $0x0;
	s19 =	sadd.s32 $0x34400, s1;
	[dreg:$0x1e] =	wrdreg s18  }
0x13: {  	s2 =	sor.u32 s4, s10;
	s20 =	sadd.s32 $0x40400, s1;
	[dreg:$0x1f] =	wrdreg s19  }
0x14: {  	[smem:$0x7FD] =	sst s20;
	s21 =	sadd.s32 $0x120000, s2;
	s18 =	sadd.s32 $0x14400, s1  }
0x15: {  	s4 =	sadd.s32 $0xC0000, s2;
	s19 =	sadd.s32 $0x20400, s1;
	s23 =	sadd.s32 $0x60000, s2  }
0x16: {  	s25 =	sor.u32 $0x480000, s2;
	s26 =	sor.u32 $0x300000, s2;
	s6 =	sadd.s32 $0x5A0000, s2  }
0x17: {  	s8 =	sadd.s32 $0x540000, s2;
	s9 =	sadd.s32 $0x4E0000, s2;
	s13 =	sadd.s32 $0x420000, s2  }
0x18: {  	s15 =	sadd.s32 $0x3C0000, s2;
	s16 =	sadd.s32 $0x360000, s2;
	s3 =	sshrl.u32 s21, $0x3  }
0x19: {  	s4 =	sshrl.u32 s4, $0x3;
	s24 =	sshrl.u32 s23, $0x3;
	s31 =	sshrl.u32 s26, $0x3  }
0x1a: {  	s7 =	sshrl.u32 s6, $0x3;
	s11 =	sshrl.u32 s9, $0x3;
	s14 =	sshrl.u32 s13, $0x3  }
0x1b: {  	s20 =	sshrl.u32 s16, $0x3;
	s3 =	sadd.s32 s3, s0;
	s22 =	sadd.s32 s4, s0  }
0x1c: {  	s4 =	sshrl.u32 s25, $0x3;
	s5 =	sadd.s32 s31, s0;
	[dreg:$0x4] =	wrdreg s3  }
0x1d: {  	s12 =	sadd.s32 s11, s0;
	s21 =	sadd.s32 s20, s0;
	[dreg:$0x5] =	wrdreg s22  }
0x1e: {  	s25 =	sadd.s32 $0x1E0000, s2;
	s20 =	sadd.s32 $0x2C400, s1;
	[dreg:$0x8] =	wrdreg s5  }
0x1f: {  	s3 =	sadd.s32 s24, s0;
	s30 =	sadd.s32 s4, s0;
	[dreg:$0xb] =	wrdreg s12  }
0x20: {  	s4 =	sshrl.u32 s8, $0x3;
	s22 =	sadd.s32 $0x2A0000, s2;
	[dreg:$0xe] =	wrdreg s21  }
0x21: {  	s24 =	sadd.s32 $0x240000, s2;
	s2 =	sshrl.u32 s2, $0x3;
	[dreg:$0x6] =	wrdreg s3  }
0x22: {  	s21 =	sadd.s32 $0x38400, s1;
	[dreg:$0x7] =	wrdreg s30;
	s3 =	sadd.s32 s7, s0  }
0x23: {  	s10 =	sadd.s32 s4, s0;
	s4 =	sshrl.u32 s15, $0x3;
	[dreg:$0x9] =	wrdreg s3  }
0x24: {  	s23 =	sshrl.u32 s22, $0x3;
	[dreg:$0xa] =	wrdreg s10;
	s3 =	sadd.s32 s14, s0  }
0x25: {  	s30 =	sshrl.u32 s25, $0x3;
	s17 =	sadd.s32 s4, s0;
	[dreg:$0xc] =	wrdreg s3  }
0x26: {  	s22 =	sadd.s32 $0x44400, s1;
	s31 =	sadd.s32 s30, s0;
	[dreg:$0xd] =	wrdreg s17  }
0x27: {  	s4 =	sshrl.u32 s24, $0x3;
	s3 =	sadd.s32 s23, s0;
	[dreg:$0x11] =	wrdreg s31  }
0x28: {  	s25 =	simm.s32 $0x3;
	s26 =	sadd.s32 s4, s0;
	[dreg:$0xf] =	wrdreg s3  }
0x29: {  	s24 =	simm.s32 $0x400;
	s0 =	sadd.s32 s2, s0;
	[dreg:$0x10] =	wrdreg s26  }
0x2a: {  	s23 =	simm.s32 $0x200;
	[dreg:$0x12] =	wrdreg s0;
	s26 =	simm.s32 $0x1  }
.LBB2_1:
0x2b: {  	s0 =	rddreg [dreg:$0x13]  }
0x2c: {  	s1 =	simm.s32 $0x80;
	s14 =	rddreg [dreg:$0x17]  }
0x2d: {  	[tilespmem:s1], [sflag:$0x1] =	stream.strided.gather [hbm4b:s0+s23], $0x1000, s24, s23, $0x38;
	[tilespmem:$0x12080] =	vst v63  }
0x2e: {  	s15 =	simm.s32 $0x3080;
	s16 =	rddreg [dreg:$0x18]  }
0x2f: {  	[tilespmem:s15], [sflag:$0x1] =	stream.strided.gather [hbm4b:s14+s23], $0x1000, s24, s23, $0x38;
	[tilespmem:$0x12080] =	vst v63  }
0x30: {  	s17 =	simm.s32 $0x6080;
	s2 =	rddreg [dreg:$0x19]  }
0x31: {  	[tilespmem:s17], [sflag:$0x1] =	stream.strided.gather [hbm4b:s16+s23], $0x1000, s24, s23, $0x38;
	[tilespmem:$0x12080] =	vst v63  }
0x32: {  	s3 =	simm.s32 $0x9080;
	s4 =	rddreg [dreg:$0x1a]  }
0x33: {  	[tilespmem:s3], [sflag:$0x1] =	stream.strided.gather [hbm4b:s2+s23], $0x1000, s24, s23, $0x38;
	[tilespmem:$0x12080] =	vst v63  }
0x34: {  	s5 =	simm.s32 $0xC080;
	s6 =	rddreg [dreg:$0x1b]  }
0x35: {  	[tilespmem:s5], [sflag:$0x1] =	stream.strided.gather [hbm4b:s4+s23], $0x1000, s24, s23, $0x38;
	[tilespmem:$0x12080] =	vst v63  }
0x36: {  	s7 =	simm.s32 $0xF080;
	s8 =	rddreg [dreg:$0x14]  }
0x37: {  	[tilespmem:s7], [sflag:$0x1] =	stream.strided.gather [hbm4b:s6+s23], $0x1000, s24, s23, $0x38;
	[tilespmem:$0x12080] =	vst v63  }
0x38: {  	s9 =	simm.s32 $0x1080;
	s10 =	rddreg [dreg:$0x1c]  }
0x39: {  	[tilespmem:s9], [sflag:$0x1] =	stream.strided.gather [hbm4b:s8+s23], $0x1000, s24, s23, $0x38;
	[tilespmem:$0x12080] =	vst v63  }
0x3a: {  	s11 =	simm.s32 $0x4080;
	s12 =	rddreg [dreg:$0x1d]  }
0x3b: {  	[tilespmem:s11], [sflag:$0x1] =	stream.strided.gather [hbm4b:s10+s23], $0x1000, s24, s23, $0x38;
	[tilespmem:$0x12080] =	vst v63  }
0x3c: {  	s13 =	simm.s32 $0x7080;
	s14 =	rddreg [dreg:$0x1e]  }
0x3d: {  	[tilespmem:s13], [sflag:$0x1] =	stream.strided.gather [hbm4b:s12+s23], $0x1000, s24, s23, $0x38;
	[tilespmem:$0x12080] =	vst v63  }
0x3e: {  	s15 =	simm.s32 $0xA080;
	s16 =	rddreg [dreg:$0x1f]  }
0x3f: {  	[tilespmem:s15], [sflag:$0x1] =	stream.strided.gather [hbm4b:s14+s23], $0x1000, s24, s23, $0x38;
	[tilespmem:$0x12080] =	vst v63  }
0x40: {  	s17 =	simm.s32 $0xD080;
	s2 =	sld [smem:$0x7FD]  }
0x41: {  	[tilespmem:s17], [sflag:$0x1] =	stream.strided.gather [hbm4b:s16+s23], $0x1000, s24, s23, $0x38;
	[tilespmem:$0x12080] =	vst v63  }
0x42: {  	s3 =	simm.s32 $0x10080  }
0x43: {  	[tilespmem:s3], [sflag:$0x1] =	stream.strided.gather [hbm4b:s2+s23], $0x1000, s24, s23, $0x38;
	[tilespmem:$0x12080] =	vst v63  }
0x44: {  	s4 =	rddreg [dreg:$0x15];
	s5 =	simm.s32 $0x2080  }
0x45: {  	[tilespmem:s5], [sflag:$0x1] =	stream.strided.gather [hbm4b:s4+s23], $0x1000, s24, s23, $0x38;
	[tilespmem:$0x12080] =	vst v63  }
0x46: {  	s6 =	simm.s32 $0x5080  }
0x47: {  	[tilespmem:s6], [sflag:$0x1] =	stream.strided.gather [hbm4b:s18+s23], $0x1000, s24, s23, $0x38;
	[tilespmem:$0x12080] =	vst v63  }
0x48: {  	s7 =	simm.s32 $0x8080  }
0x49: {  	[tilespmem:s7], [sflag:$0x1] =	stream.strided.gather [hbm4b:s19+s23], $0x1000, s24, s23, $0x38;
	[tilespmem:$0x12080] =	vst v63  }
0x4a: {  	s8 =	simm.s32 $0xB080  }
0x4b: {  	[tilespmem:s8], [sflag:$0x1] =	stream.strided.gather [hbm4b:s20+s23], $0x1000, s24, s23, $0x38;
	[tilespmem:$0x12080] =	vst v63  }
0x4c: {  	s9 =	simm.s32 $0xE080  }
0x4d: {  	[tilespmem:s9], [sflag:$0x1] =	stream.strided.gather [hbm4b:s21+s23], $0x1000, s24, s23, $0x38;
	[tilespmem:$0x12080] =	vst v63  }
0x4e: {  	s10 =	simm.s32 $0x11080  }
0x4f: {  	[tilespmem:s10], [sflag:$0x1] =	stream.strided.gather [hbm4b:s22+s23], $0x1000, s24, s23, $0x38;
	[tilespmem:$0x12080] =	vst v63  }
0x50: {  	s11 =	rddreg [dreg:$0x1];
	s12 =	simm.s32 $0x0  }
0x51: {  	[tilespmem:s12], [sflag:$0x3] =	stream.linear.gather [hbm4b:s11+s12], $0x80, $0x38;
	[tilespmem:$0x12080] =	vst v63  }
0x52: {  	_ =	swait.ge [sflag:s25], $0x80  }
0x53: {  	[sflag:s25] =	ssyncset.done $0x0  }
0x54: {  	[sflag:s25] =	ssyncadd.s32 $0xFFFFFF80  }
0x55: {  	_ =	swait.ge [sflag:s26], $0x6000  }
0x56: {  	[sflag:s26] =	ssyncset.done $0x0  }
0x57: {  	[sflag:s26] =	ssyncadd.s32 $0xFFFFA000  }
0x58: {  	_ =	swait.ge [sflag:s26], $0x6000  }
0x59: {  	[sflag:s26] =	ssyncset.done $0x0  }
0x5a: {  	[sflag:s26] =	ssyncadd.s32 $0xFFFFA000  }
0x5b: {  	_ =	swait.ge [sflag:s26], $0x6000  }
0x5c: {  	[sflag:s26] =	ssyncset.done $0x0  }
0x5d: {  	[sflag:s26] =	ssyncadd.s32 $0xFFFFA000  }
0x5e: {  	v0 =	vld [tilespmem:s12+$0x0];
	_ =	sdelay $0x4  }
0x5f: {  	v0 =	vmul.u32 $0xC000, v0;
	_ =	sdelay $0x1  }
0x60: {  	v0 =	vshra.s32 v0, $0x2  }
0x61: {  	(v2sf) =	vpush v0, $0x0  }
0x62: {  	(v2sf) =	vpush v0, $0x1;
	_ =	sdelay $0x1  }
0x63: {  	(v2sf) =	vpush v0, $0x2;
	_ =	sdelay $0x3  }
0x64: {  	(v2sf) =	vpush v0, $0x3;
	_ =	sdelay $0x1  }
0x65: {  	(v2sf) =	vpush v0, $0x4  }
0x66: {  	s13 =	rddreg [dreg:$0x12]  }
0x67: {  	s14 =	rddreg [dreg:$0x6];
	(v2sf) =	vpush v0, $0x5  }
0x68: {  	s15 =	rddreg [dreg:$0x5]  }
0x69: {  	s17 =	rddreg [dreg:$0x4];
	(v2sf) =	vpush v0, $0x6  }
0x6a: {  	s5 =	rddreg [dreg:$0x11]  }
0x6b: {  	s7 =	rddreg [dreg:$0x10];
	s2 =	spop (v2sf)  }
0x6c: {  	s0 =	sadd.s32 $0x0, s13;
	s2 =	sor.u32 $0x80, s2;
	s3 =	spop (v2sf)  }
0x6d: {  	(v2sf) =	vpush v0, $0x7;
	[hbm4b:s0+s23] =	stream.strided.scatter [tilespmem:s2], [sflag:$0x2], $0x3000, s24, s23, $0x38;
	[tilespmem:$0x12080] =	vst v63  }
0x6e: {  	s1 =	sadd.s32 $0x0, s14;
	(v2sf) =	vpush v0, $0x8;
	s3 =	sor.u32 $0x80, s3;
	s16 =	spop (v2sf)  }
0x6f: {  	[hbm4b:s1+s23] =	stream.strided.scatter [tilespmem:s3], [sflag:$0x2], $0x3000, s24, s23, $0x38;
	[tilespmem:$0x12080] =	vst v63  }
0x70: {  	s10 =	rddreg [dreg:$0xf];
	s2 =	sadd.s32 $0x0, s15;
	(v2sf) =	vpush v0, $0x9;
	s1 =	sor.u32 $0x80, s16  }
0x71: {  	[hbm4b:s2+s23] =	stream.strided.scatter [tilespmem:s1], [sflag:$0x2], $0x3000, s24, s23, $0x38;
	[tilespmem:$0x12080] =	vst v63  }
0x72: {  	s12 =	rddreg [dreg:$0x8];
	s2 =	spop (v2sf);
	(v2sf) =	vpush v0, $0xA  }
0x73: {  	s0 =	sadd.s32 $0x30000, s0;
	s15 =	rddreg [dreg:$0xe]  }
0x74: {  	s3 =	sadd.s32 $0x0, s17;
	s1 =	sor.u32 $0x80, s2;
	s4 =	spop (v2sf);
	(v2sf) =	vpush v0, $0xB  }
0x75: {  	[hbm4b:s3+s23] =	stream.strided.scatter [tilespmem:s1], [sflag:$0x2], $0x3000, s24, s23, $0x38;
	[tilespmem:$0x12080] =	vst v63  }
0x76: {  	s17 =	rddreg [dreg:$0xd];
	s6 =	sor.u32 $0x80, s4;
	s8 =	spop (v2sf);
	(v2sf) =	vpush v0, $0xC  }
0x77: {  	[hbm4b:s0+s23] =	stream.strided.scatter [tilespmem:s6], [sflag:$0x2], $0x3000, s24, s23, $0x38;
	[tilespmem:$0x12080] =	vst v63  }
0x78: {  	s1 =	sadd.s32 $0x0, s5;
	s2 =	sor.u32 $0x80, s8;
	s9 =	spop (v2sf);
	(v2sf) =	vpush v0, $0xD  }
0x79: {  	[hbm4b:s1+s23] =	stream.strided.scatter [tilespmem:s2], [sflag:$0x2], $0x3000, s24, s23, $0x38;
	[tilespmem:$0x12080] =	vst v63  }
0x7a: {  	s5 =	rddreg [dreg:$0xc];
	s0 =	sadd.s32 $0x0, s7;
	s11 =	sor.u32 $0x80, s9  }
0x7b: {  	[hbm4b:s0+s23] =	stream.strided.scatter [tilespmem:s11], [sflag:$0x2], $0x3000, s24, s23, $0x38;
	[tilespmem:$0x12080] =	vst v63  }
0x7c: {  	s7 =	rddreg [dreg:$0x7];
	s1 =	sadd.s32 $0x0, s10;
	s13 =	spop (v2sf);
	(v2sf) =	vpush v0, $0xE  }
0x7d: {  	s10 =	rddreg [dreg:$0xb];
	s2 =	sor.u32 $0x80, s13;
	s14 =	spop (v2sf);
	(v2sf) =	vpush v0, $0xF  }
0x7e: {  	[hbm4b:s1+s23] =	stream.strided.scatter [tilespmem:s2], [sflag:$0x2], $0x3000, s24, s23, $0x38;
	[tilespmem:$0x12080] =	vst v63  }
0x7f: {  	s0 =	sadd.s32 $0x0, s12;
	s16 =	sor.u32 $0x80, s14;
	s3 =	spop (v2sf)  }
0x80: {  	[hbm4b:s0+s23] =	stream.strided.scatter [tilespmem:s16], [sflag:$0x2], $0x3000, s24, s23, $0x38;
	[tilespmem:$0x12080] =	vst v63  }
0x81: {  	s1 =	sadd.s32 $0x0, s15;
	s2 =	sor.u32 $0x80, s3;
	s4 =	spop (v2sf)  }
0x82: {  	[hbm4b:s1+s23] =	stream.strided.scatter [tilespmem:s2], [sflag:$0x2], $0x3000, s24, s23, $0x38;
	[tilespmem:$0x12080] =	vst v63  }
0x83: {  	s0 =	sadd.s32 $0x0, s17;
	s6 =	sor.u32 $0x80, s4;
	s8 =	spop (v2sf)  }
0x84: {  	[hbm4b:s0+s23] =	stream.strided.scatter [tilespmem:s6], [sflag:$0x2], $0x3000, s24, s23, $0x38;
	[tilespmem:$0x12080] =	vst v63  }
0x85: {  	s1 =	sadd.s32 $0x0, s5;
	s2 =	sor.u32 $0x80, s8;
	s9 =	spop (v2sf)  }
0x86: {  	[hbm4b:s1+s23] =	stream.strided.scatter [tilespmem:s2], [sflag:$0x2], $0x3000, s24, s23, $0x38;
	[tilespmem:$0x12080] =	vst v63  }
0x87: {  	s0 =	sadd.s32 $0x0, s7;
	s11 =	sor.u32 $0x80, s9;
	s13 =	spop (v2sf)  }
0x88: {  	[hbm4b:s0+s23] =	stream.strided.scatter [tilespmem:s11], [sflag:$0x2], $0x3000, s24, s23, $0x38;
	[tilespmem:$0x12080] =	vst v63  }
0x89: {  	s12 =	rddreg [dreg:$0xa];
	s1 =	sadd.s32 $0x0, s10;
	s2 =	sor.u32 $0x80, s13  }
0x8a: {  	[hbm4b:s1+s23] =	stream.strided.scatter [tilespmem:s2], [sflag:$0x2], $0x3000, s24, s23, $0x38;
	[tilespmem:$0x12080] =	vst v63  }
0x8b: {  	s30 =	simm.s32 $0xC0000;
	s15 =	rddreg [dreg:$0x9];
	s14 =	spop (v2sf)  }
0x8c: {  	s0 =	sadd.s32 $0x0, s12;
	s16 =	sor.u32 $0x80, s14;
	s17 =	spop (v2sf)  }
0x8d: {  	[hbm4b:s0+s23] =	stream.strided.scatter [tilespmem:s16], [sflag:$0x2], $0x3000, s24, s23, $0x38;
	[tilespmem:$0x12080] =	vst v63  }
0x8e: {  	s31 =	simm.s32 $0x10;
	s0 =	sadd.s32 $0x0, s15;
	s1 =	sor.u32 $0x80, s17  }
.LBB2_2:
0x8f: {  	[hbm4b:s0+s23] =	stream.strided.scatter [tilespmem:s1], [sflag:$0x2], $0x3000, s24, s23, $0x38;
	[tilespmem:$0x12080] =	vst v63  }
0x90: {  	v0 =	vld [tilespmem:s31+$0x0];
	_ =	sdelay $0x4  }
0x91: {  	v0 =	vmul.u32 $0xC000, v0;
	_ =	sdelay $0x1  }
0x92: {  	v0 =	vshra.s32 v0, $0x2  }
0x93: {  	(v2sf) =	vpush v0, $0x0  }
0x94: {  	s0 =	rddreg [dreg:$0x9];
	(v2sf) =	vpush v0, $0x1  }
0x95: {  	s2 =	rddreg [dreg:$0xa]  }
0x96: {  	s6 =	rddreg [dreg:$0xb];
	(v2sf) =	vpush v0, $0x2  }
0x97: {  	s3 =	rddreg [dreg:$0x7]  }
0x98: {  	s4 =	rddreg [dreg:$0xc];
	(v2sf) =	vpush v0, $0x3  }
0x99: {  	s5 =	rddreg [dreg:$0xd]  }
0x9a: {  	s7 =	rddreg [dreg:$0xe];
	(v2sf) =	vpush v0, $0x4  }
0x9b: {  	s8 =	rddreg [dreg:$0x8]  }
0x9c: {  	s9 =	rddreg [dreg:$0xf];
	(v2sf) =	vpush v0, $0x5  }
0x9d: {  	s10 =	rddreg [dreg:$0x10]  }
0x9e: {  	s11 =	rddreg [dreg:$0x11];
	(v2sf) =	vpush v0, $0x6  }
0x9f: {  	s12 =	rddreg [dreg:$0x4]  }
0xa0: {  	p0 =	sne.s32 s30, $0x540000;
	s13 =	rddreg [dreg:$0x12];
	(v2sf) =	vpush v0, $0x7  }
0xa1: {  	s1 =	smov.u32 s30;
	s30 =	sadd.s32 $0xC0000, s30;
	s14 =	rddreg [dreg:$0x5]  }
0xa2: {  	s15 =	rddreg [dreg:$0x6];
	s6 =	sadd.s32 s1, s6;
	s16 =	spop (v2sf);
	(v2sf) =	vpush v0, $0x8  }
0xa3: {  	s13 =	sadd.s32 s1, s13;
	s16 =	sor.u32 $0x80, s16;
	s17 =	spop (v2sf)  }
0xa4: {  	(v2sf) =	vpush v0, $0x9;
	[hbm4b:s13+s23] =	stream.strided.scatter [tilespmem:s16], [sflag:$0x2], $0x3000, s24, s23, $0x38;
	[tilespmem:$0x12080] =	vst v63  }
0xa5: {  	s15 =	sadd.s32 s1, s15;
	s16 =	sor.u32 $0x80, s17;
	s17 =	spop (v2sf)  }
0xa6: {  	(v2sf) =	vpush v0, $0xA;
	[hbm4b:s15+s23] =	stream.strided.scatter [tilespmem:s16], [sflag:$0x2], $0x3000, s24, s23, $0x38;
	[tilespmem:$0x12080] =	vst v63  }
0xa7: {  	s14 =	sadd.s32 s1, s14;
	s16 =	sor.u32 $0x80, s17;
	s17 =	spop (v2sf)  }
0xa8: {  	(v2sf) =	vpush v0, $0xB;
	[hbm4b:s14+s23] =	stream.strided.scatter [tilespmem:s16], [sflag:$0x2], $0x3000, s24, s23, $0x38;
	[tilespmem:$0x12080] =	vst v63  }
0xa9: {  	s12 =	sadd.s32 s1, s12;
	s16 =	sor.u32 $0x80, s17;
	s17 =	spop (v2sf)  }
0xaa: {  	(v2sf) =	vpush v0, $0xC;
	[hbm4b:s12+s23] =	stream.strided.scatter [tilespmem:s16], [sflag:$0x2], $0x3000, s24, s23, $0x38;
	[tilespmem:$0x12080] =	vst v63  }
0xab: {  	s14 =	sadd.s32 $0x30000, s13;
	s16 =	sor.u32 $0x80, s17;
	s17 =	spop (v2sf)  }
0xac: {  	(v2sf) =	vpush v0, $0xD;
	[hbm4b:s14+s23] =	stream.strided.scatter [tilespmem:s16], [sflag:$0x2], $0x3000, s24, s23, $0x38;
	[tilespmem:$0x12080] =	vst v63  }
0xad: {  	s11 =	sadd.s32 s1, s11;
	s15 =	spop (v2sf);
	s14 =	sor.u32 $0x80, s17  }
0xae: {  	(v2sf) =	vpush v0, $0xE;
	[hbm4b:s11+s23] =	stream.strided.scatter [tilespmem:s14], [sflag:$0x2], $0x3000, s24, s23, $0x38;
	[tilespmem:$0x12080] =	vst v63  }
0xaf: {  	s10 =	sadd.s32 s1, s10;
	s16 =	sor.u32 $0x80, s15;
	s17 =	spop (v2sf);
	(v2sf) =	vpush v0, $0xF  }
0xb0: {  	[hbm4b:s10+s23] =	stream.strided.scatter [tilespmem:s16], [sflag:$0x2], $0x3000, s24, s23, $0x38;
	[tilespmem:$0x12080] =	vst v63  }
0xb1: {  	s9 =	sadd.s32 s1, s9;
	s12 =	sor.u32 $0x80, s17;
	s13 =	spop (v2sf)  }
0xb2: {  	[hbm4b:s9+s23] =	stream.strided.scatter [tilespmem:s12], [sflag:$0x2], $0x3000, s24, s23, $0x38;
	[tilespmem:$0x12080] =	vst v63  }
0xb3: {  	s8 =	sadd.s32 s1, s8;
	s14 =	sor.u32 $0x80, s13;
	s15 =	spop (v2sf)  }
0xb4: {  	[hbm4b:s8+s23] =	stream.strided.scatter [tilespmem:s14], [sflag:$0x2], $0x3000, s24, s23, $0x38;
	[tilespmem:$0x12080] =	vst v63  }
0xb5: {  	s7 =	sadd.s32 s1, s7;
	s16 =	sor.u32 $0x80, s15;
	s17 =	spop (v2sf)  }
0xb6: {  	[hbm4b:s7+s23] =	stream.strided.scatter [tilespmem:s16], [sflag:$0x2], $0x3000, s24, s23, $0x38;
	[tilespmem:$0x12080] =	vst v63  }
0xb7: {  	s5 =	sadd.s32 s1, s5;
	s8 =	sor.u32 $0x80, s17;
	s9 =	spop (v2sf)  }
0xb8: {  	[hbm4b:s5+s23] =	stream.strided.scatter [tilespmem:s8], [sflag:$0x2], $0x3000, s24, s23, $0x38;
	[tilespmem:$0x12080] =	vst v63  }
0xb9: {  	s4 =	sadd.s32 s1, s4;
	s10 =	sor.u32 $0x80, s9;
	s11 =	spop (v2sf)  }
0xba: {  	[hbm4b:s4+s23] =	stream.strided.scatter [tilespmem:s10], [sflag:$0x2], $0x3000, s24, s23, $0x38;
	[tilespmem:$0x12080] =	vst v63  }
0xbb: {  	s3 =	sadd.s32 s1, s3;
	s12 =	sor.u32 $0x80, s11;
	s13 =	spop (v2sf)  }
0xbc: {  	[hbm4b:s3+s23] =	stream.strided.scatter [tilespmem:s12], [sflag:$0x2], $0x3000, s24, s23, $0x38;
	[tilespmem:$0x12080] =	vst v63  }
.Ltmp0:
0xbd: {  	s2 =	sadd.s32 s1, s2;
	s15 =	spop (v2sf);
	(pc) =	sbr.rel @p0 .LBB2_2-.Ltmp0, $4  }
0xbe: {  	s0 =	sadd.s32 s1, s0;
	s14 =	sor.u32 $0x80, s13;
	s17 =	spop (v2sf)  }
0xbf: {  	[hbm4b:s6+s23] =	stream.strided.scatter [tilespmem:s14], [sflag:$0x2], $0x3000, s24, s23, $0x38;
	[tilespmem:$0x12080] =	vst v63  }
0xc0: {  	s31 =	sadd.s32 $0x10, s31;
	s16 =	sor.u32 $0x80, s15;
	s1 =	sor.u32 $0x80, s17  }
0xc1: {  	[hbm4b:s2+s23] =	stream.strided.scatter [tilespmem:s16], [sflag:$0x2], $0x3000, s24, s23, $0x38;
	[tilespmem:$0x12080] =	vst v63  }
0xc2: {  	[hbm4b:s0+s23] =	stream.strided.scatter [tilespmem:s1], [sflag:$0x2], $0x3000, s24, s23, $0x38;
	[tilespmem:$0x12080] =	vst v63  }
0xc3: {  	_ =	swait.ge [sflag:s28], $0x3000  }
0xc4: {  	[sflag:s28] =	ssyncset.done $0x0  }
0xc5: {  	[sflag:s28] =	ssyncadd.s32 $0xFFFFD000  }
0xc6: {  	_ =	swait.ge [sflag:s28], $0x3000  }
0xc7: {  	[sflag:s28] =	ssyncset.done $0x0  }
0xc8: {  	[sflag:s28] =	ssyncadd.s32 $0xFFFFD000  }
0xc9: {  	_ =	swait.ge [sflag:s28], $0x3000  }
0xca: {  	[sflag:s28] =	ssyncset.done $0x0  }
0xcb: {  	[sflag:s28] =	ssyncadd.s32 $0xFFFFD000  }
0xcc: {  	_ =	swait.ge [sflag:s28], $0x3000  }
0xcd: {  	[sflag:s28] =	ssyncset.done $0x0  }
0xce: {  	[sflag:s28] =	ssyncadd.s32 $0xFFFFD000  }
0xcf: {  	_ =	swait.ge [sflag:s28], $0x3000  }
0xd0: {  	[sflag:s28] =	ssyncset.done $0x0  }
0xd1: {  	[sflag:s28] =	ssyncadd.s32 $0xFFFFD000  }
0xd2: {  	_ =	swait.ge [sflag:s28], $0x3000  }
0xd3: {  	[sflag:s28] =	ssyncset.done $0x0  }
0xd4: {  	[sflag:s28] =	ssyncadd.s32 $0xFFFFD000  }
0xd5: {  	_ =	swait.ge [sflag:s28], $0x3000  }
0xd6: {  	[sflag:s28] =	ssyncset.done $0x0  }
0xd7: {  	[sflag:s28] =	ssyncadd.s32 $0xFFFFD000  }
0xd8: {  	_ =	swait.ge [sflag:s28], $0x3000  }
0xd9: {  	[sflag:s28] =	ssyncset.done $0x0  }
0xda: {  	[sflag:s28] =	ssyncadd.s32 $0xFFFFD000  }
0xdb: {  	_ =	swait.ge [sflag:s28], $0x3000  }
0xdc: {  	[sflag:s28] =	ssyncset.done $0x0  }
0xdd: {  	[sflag:s28] =	ssyncadd.s32 $0xFFFFD000  }
0xde: {  	_ =	swait.ge [sflag:s28], $0x3000  }
0xdf: {  	[sflag:s28] =	ssyncset.done $0x0  }
0xe0: {  	[sflag:s28] =	ssyncadd.s32 $0xFFFFD000  }
0xe1: {  	_ =	swait.ge [sflag:s28], $0x3000  }
0xe2: {  	[sflag:s28] =	ssyncset.done $0x0  }
0xe3: {  	[sflag:s28] =	ssyncadd.s32 $0xFFFFD000  }
0xe4: {  	_ =	swait.ge [sflag:s28], $0x3000  }
0xe5: {  	[sflag:s28] =	ssyncset.done $0x0  }
0xe6: {  	[sflag:s28] =	ssyncadd.s32 $0xFFFFD000  }
0xe7: {  	_ =	swait.ge [sflag:s28], $0x3000  }
0xe8: {  	[sflag:s28] =	ssyncset.done $0x0  }
0xe9: {  	[sflag:s28] =	ssyncadd.s32 $0xFFFFD000  }
0xea: {  	_ =	swait.ge [sflag:s28], $0x3000  }
0xeb: {  	[sflag:s28] =	ssyncset.done $0x0  }
0xec: {  	[sflag:s28] =	ssyncadd.s32 $0xFFFFD000  }
0xed: {  	_ =	swait.ge [sflag:s28], $0x3000  }
0xee: {  	[sflag:s28] =	ssyncset.done $0x0  }
0xef: {  	[sflag:s28] =	ssyncadd.s32 $0xFFFFD000  }
0xf0: {  	_ =	swait.ge [sflag:s28], $0x3000  }
0xf1: {  	s0 =	simm.s32 $0x7;
	[sflag:s28] =	ssyncset.done $0x0  }
.LBB2_4:
0xf2: {  	p0 =	sne.s32 s0, $0x1;
	s0 =	sadd.s32 $0xFFFFFFFF, s0;
	[sflag:s28] =	ssyncadd.s32 $0xFFFFD000  }
0xf3: {  	_ =	swait.ge [sflag:s28], $0x3000  }
0xf4: {  	[sflag:s28] =	ssyncset.done $0x0  }
0xf5: {  	[sflag:s28] =	ssyncadd.s32 $0xFFFFD000  }
0xf6: {  	_ =	swait.ge [sflag:s28], $0x3000  }
0xf7: {  	[sflag:s28] =	ssyncset.done $0x0  }
0xf8: {  	[sflag:s28] =	ssyncadd.s32 $0xFFFFD000  }
0xf9: {  	_ =	swait.ge [sflag:s28], $0x3000  }
0xfa: {  	[sflag:s28] =	ssyncset.done $0x0  }
0xfb: {  	[sflag:s28] =	ssyncadd.s32 $0xFFFFD000  }
0xfc: {  	_ =	swait.ge [sflag:s28], $0x3000  }
0xfd: {  	[sflag:s28] =	ssyncset.done $0x0  }
0xfe: {  	[sflag:s28] =	ssyncadd.s32 $0xFFFFD000  }
0xff: {  	_ =	swait.ge [sflag:s28], $0x3000  }
0x100: {  	[sflag:s28] =	ssyncset.done $0x0  }
0x101: {  	[sflag:s28] =	ssyncadd.s32 $0xFFFFD000  }
0x102: {  	_ =	swait.ge [sflag:s28], $0x3000  }
0x103: {  	[sflag:s28] =	ssyncset.done $0x0  }
0x104: {  	[sflag:s28] =	ssyncadd.s32 $0xFFFFD000  }
0x105: {  	_ =	swait.ge [sflag:s28], $0x3000  }
0x106: {  	[sflag:s28] =	ssyncset.done $0x0  }
0x107: {  	[sflag:s28] =	ssyncadd.s32 $0xFFFFD000  }
0x108: {  	_ =	swait.ge [sflag:s28], $0x3000  }
0x109: {  	[sflag:s28] =	ssyncset.done $0x0  }
0x10a: {  	[sflag:s28] =	ssyncadd.s32 $0xFFFFD000  }
0x10b: {  	_ =	swait.ge [sflag:s28], $0x3000  }
0x10c: {  	[sflag:s28] =	ssyncset.done $0x0  }
0x10d: {  	[sflag:s28] =	ssyncadd.s32 $0xFFFFD000  }
0x10e: {  	_ =	swait.ge [sflag:s28], $0x3000  }
0x10f: {  	[sflag:s28] =	ssyncset.done $0x0  }
0x110: {  	[sflag:s28] =	ssyncadd.s32 $0xFFFFD000  }
0x111: {  	_ =	swait.ge [sflag:s28], $0x3000  }
0x112: {  	[sflag:s28] =	ssyncset.done $0x0  }
0x113: {  	[sflag:s28] =	ssyncadd.s32 $0xFFFFD000  }
0x114: {  	_ =	swait.ge [sflag:s28], $0x3000  }
0x115: {  	[sflag:s28] =	ssyncset.done $0x0  }
0x116: {  	[sflag:s28] =	ssyncadd.s32 $0xFFFFD000  }
0x117: {  	_ =	swait.ge [sflag:s28], $0x3000  }
0x118: {  	[sflag:s28] =	ssyncset.done $0x0  }
0x119: {  	[sflag:s28] =	ssyncadd.s32 $0xFFFFD000  }
0x11a: {  	_ =	swait.ge [sflag:s28], $0x3000  }
0x11b: {  	[sflag:s28] =	ssyncset.done $0x0  }
0x11c: {  	[sflag:s28] =	ssyncadd.s32 $0xFFFFD000  }
.Ltmp1:
0x11d: {  	_ =	swait.ge [sflag:s28], $0x3000;
	(pc) =	sbr.rel @p0 .LBB2_4-.Ltmp1, $4  }
0x11e: {  	[sflag:s28] =	ssyncset.done $0x0  }
0x11f: {  	[sflag:s28] =	ssyncadd.s32 $0xFFFFD000  }
0x120: {  	_ =	swait.ge [sflag:s28], $0x3000  }
0x121: {  	[sflag:s28] =	ssyncset.done $0x0  }
0x122: {  	s29 =	sadd.s32 $0x1, s29;
	s0 =	rddreg [dreg:$0x16]  }
0x123: {  	p0 =	sne.s32 s29, s0  }
.Ltmp2:
0x124: {  	_ = 	snop;
	(pc) =	sbr.rel @p0 .LBB2_1-.Ltmp2, $2  }
0x125: {  	_ =	sdelay $0x2  }
0x126: {  	[sflag:s28] =	ssyncadd.s32 $0xFFFFD000  }
0x127: {  	_ =	sfence.sel $0x180000  }
0x128: {  	[bflag:$0x0] =	sbarrier.arrive $0xFFFF  }
0x129: {  	_ =	strace $0x90000047  }
0x12a: {  	s0 =	stileid.u32;
	[bflag:$0x2] =	sbarrier.arrive $0xFFFF  }
0x12b: {  	p0 =	sne.s32 s0, $0x0;
	s0 =	rddreg [dreg:$0x3]  }
0x12c: {  	s0 =	sadd.s32 @!p0 $0x100000, s0  }
0x12d: {  	[sflag:s0] =	ssyncadd.tile.s32 @!p0 $0x1;
	_ =	shalt  }
.Lfunc_end2:
_tile_overlayer_lowered:
.L_overlay_start_2:
0x12e: {  	(tag) =	ssettag $0x2  }
0x12f: {  	s0 =	rddreg [dreg:$0x0];
	s2 =	stileid.u32  }
0x130: {  	s1 =	rddreg [dreg:$0x1];
	p0 =	sne.s32 s2, $0x0  }
0x131: {  	s3 =	rddreg [dreg:$0x2];
	[bflag:$0x3] =	sbarrier.arrive $0xFFFF;
	s2 =	simm.s32 @!p0 $0x1C03  }
0x132: {  	[timem:s3], [sflag:s2] =	dma.local @!p0 [hbm:s0], s1  }
0x133: {  	s0 =	simm.s32 @!p0 $0x3  }
0x134: {  	_ =	swait.ge @!p0 [sflag:s0], s1  }
0x135: {  	s1 =	ssub.s32 @!p0 $0x0, s1;
	[sflag:s0] =	ssyncset.done @!p0 $0x0  }
0x136: {  	[sflag:s0] =	ssyncadd.s32 @!p0 s1  }
0x137: {  	[bflag:$0x3] =	sbarrier.arrive $0xFFFF  }
0x138: {  	_ =	shalt  }

</sc_bundles>
